<compile_context>
chip_gen: v7x
topology: tpu7x:2x2x1
jax: 0.10.2.dev20260603
libtpu: 0.0.44.dev20260713+nightly
codegen_flags: <defaults>
</compile_context>

<pallas_src>
import functools

import jax
import jax.numpy as jnp
from jax import lax
from jax.experimental import pallas as pl
from jax.experimental.pallas import tpu as pltpu
from jax.experimental.pallas import tpu_sc as plsc

NUM_AUTHORS = 50000
SPAN = 50000
DIM = 128
NW = 32
NSUB = 16

SIZES = (224,) * 7
OFFS = tuple(sum(SIZES[:j]) for j in range(len(SIZES)))
PW = sum(SIZES)
SLOT = (0, 1, 3, 2, 0, 3, 1)
SLOT_SIZE = (224, 224, 224, 224)
SPMEM_SLOTS = (3,)
NCH = len(SIZES)
_prev_user = {j: max((k for k in range(j) if SLOT[k] == SLOT[j]), default=None)
              for j in range(NCH)}

_mesh = plsc.VectorSubcoreMesh(core_axis_name="c", subcore_axis_name="s")


def _make_slice_copy(srow):
    @functools.partial(
        pl.kernel,
        out_type=jax.ShapeDtypeStruct((SPAN, DIM), jnp.float32),
        mesh=_mesh,
        scratch_types=(
            [pltpu.VMEM((SLOT_SIZE[s], DIM), jnp.float32)
             for s in range(len(SLOT_SIZE)) if s not in SPMEM_SLOTS]
            + [pltpu.VMEM_SHARED((NSUB, SLOT_SIZE[s], DIM), jnp.float32)
               for s in SPMEM_SLOTS]
            + [pltpu.SemaphoreType.DMA for _ in range(2 * len(SLOT_SIZE))]
        ),
        name=f"sc_slice_copy_{srow}",
    )
    def _sc_slice_copy(table_hbm, out_hbm, *scratch):
        nslots = len(SLOT_SIZE)
        tile_ids = [s for s in range(nslots) if s not in SPMEM_SLOTS]
        refs = {}
        for i, s in enumerate(tile_ids):
            refs[s] = scratch[i]
        for i, s in enumerate(SPMEM_SLOTS):
            refs[s] = scratch[len(tile_ids) + i]
        sems = scratch[len(tile_ids) + len(SPMEM_SLOTS):]
        wid = lax.axis_index("s") * 2 + lax.axis_index("c")
        sid = lax.axis_index("s")
        base = pl.multiple_of(jnp.minimum(wid * PW, SPAN - PW), 8)

        def buf(j):
            s = SLOT[j]
            return refs[s].at[sid] if s in SPMEM_SLOTS else refs[s]

        def start_read(j):
            return pltpu.async_copy(
                table_hbm.at[pl.ds(
                    pl.multiple_of(srow + base + OFFS[j], 8), SIZES[j])],
                buf(j), sems[2 * SLOT[j]])

        def start_write(j):
            return pltpu.async_copy(
                buf(j),
                out_hbm.at[pl.ds(pl.multiple_of(base + OFFS[j], 8), SIZES[j])],
                sems[2 * SLOT[j] + 1])

        reads = {}
        writes = {}
        done = set()
        for j in range(NCH + 1):
            if j < NCH:
                prev = _prev_user[j]
                if prev is not None:
                    writes[prev].wait()
                    done.add(prev)
                reads[j] = start_read(j)
            if j >= 1:
                reads[j - 1].wait()
                writes[j - 1] = start_write(j - 1)
        for j in range(NCH):
            if j not in done:
                writes[j].wait()

    return _sc_slice_copy


_branches = tuple(_make_slice_copy(s) for s in (0, NUM_AUTHORS))


def kernel(node_type, embedding_weight):
    idx = jnp.asarray(node_type, dtype=jnp.int32)
    return lax.switch(idx, _branches, embedding_weight)

# --- scband reference (transcript-rebuilt; emitter-appended) ---
"""Pipeline reference for scband-contextual-structural-encoder-30880814858365 (READ-ONLY COPY).

The authoritative reference and input builder live on the scoring server;
editing this copy changes nothing except your own understanding.
"""

import jax, jax.numpy as jnp
import numpy as np

# MetaPath2Vec bookkeeping: node types laid out contiguously in one embedding table.
# Type 0 = 'author' (rows [0, 50000)), type 1 = 'paper' (rows [50000, 100000)).
NUM_AUTHORS = 50000
NUM_PAPERS = 50000
EMBED_DIM = 128
STARTS = np.array([0, NUM_AUTHORS], dtype=np.int64)
ENDS = np.array([NUM_AUTHORS, NUM_AUTHORS + NUM_PAPERS], dtype=np.int64)


def setup_inputs(seed: int = 0) -> dict:
    key = jax.random.key(seed)
    # Learned parameter: the MetaPath2Vec embedding table over all node types.
    embedding_weight = jax.random.normal(
        key, (NUM_AUTHORS + NUM_PAPERS, EMBED_DIM), dtype=jnp.float32
    )
    # node_type passed as an integer type-id (0 = 'author') instead of a string.
    return {"node_type": 0, "embedding_weight": embedding_weight}


def reference(node_type, embedding_weight):
    # Faithful translation of MetaPath2Vec.forward(node_type):
    #   emb = self.embedding.weight[self.start[node_type]:self.end[node_type]]
    # Implemented as an explicit row gather so it maps to a SparseCore-style gather.
    # Every type span has the same static length, so the gather shape is fixed;
    # only the start offset depends (traceably) on node_type.
    span = int(ENDS[0] - STARTS[0])
    start = jnp.asarray(STARTS, dtype=jnp.int32)[node_type]
    idx = (start + jnp.arange(span, dtype=jnp.int32)).astype(jnp.int32)
    emb = jnp.take(embedding_weight, idx, axis=0)
    return emb

if __name__ == "__main__":
    import jax
    _d = setup_inputs()
    print(jax.jit(kernel)(*tuple(_d.values())))

</pallas_src>

<mosaic_0001>
#map = affine_map<(d0, d1) -> (0, 0)>
module attributes {stable_mosaic.version = 14 : i64} {
  func.func @sc_slice_copy_50000(%arg0: i32, %arg1: i32, %arg2: memref<100000x128xf32, #tpu.memory_space<hbm>>, %arg3: memref<50000x128xf32, #tpu.memory_space<hbm>>, %arg4: memref<224x128xf32, #tpu.memory_space<vmem>>, %arg5: memref<224x128xf32, #tpu.memory_space<vmem>>, %arg6: memref<224x128xf32, #tpu.memory_space<vmem>>, %arg7: memref<16x224x128xf32, #tpu.memory_space<vmem_shared>>, %arg8: memref<!tpu.dma_semaphore, #tpu.memory_space<semaphore_mem>>, %arg9: memref<!tpu.dma_semaphore, #tpu.memory_space<semaphore_mem>>, %arg10: memref<!tpu.dma_semaphore, #tpu.memory_space<semaphore_mem>>, %arg11: memref<!tpu.dma_semaphore, #tpu.memory_space<semaphore_mem>>, %arg12: memref<!tpu.dma_semaphore, #tpu.memory_space<semaphore_mem>>, %arg13: memref<!tpu.dma_semaphore, #tpu.memory_space<semaphore_mem>>, %arg14: memref<!tpu.dma_semaphore, #tpu.memory_space<semaphore_mem>>, %arg15: memref<!tpu.dma_semaphore, #tpu.memory_space<semaphore_mem>>) attributes {dimension_semantics = [#tpu.dimension_semantics<core_parallel>, #tpu.dimension_semantics<subcore_parallel>], iteration_bounds = array<i64: 2, 16>, scalar_prefetch = 0 : i64, scratch_operands = 12 : i64, tpu.core_type = #tpu.core_type<sc_vector_subcore>, window_params = [{transform_indices = #map}, {transform_indices = #map}]} {
    %mul3A = arith.constant 2 : i32
    %mul3A_0 = arith.muli %arg1, %mul3A : i32
    %add3A = arith.addi %mul3A_0, %arg0 : i32
    %mul3A_1 = arith.constant 1568 : i32
    %mul3A_2 = arith.muli %add3A, %mul3A_1 : i32
    %min3A = arith.constant 48432 : i32
    %min3A_3 = arith.minsi %mul3A_2, %min3A : i32
    %multiple_of3A = tpu.assume_multiple %min3A_3, 8 : i32
    %add3A_4 = arith.constant 50000 : i32
    %add3A_5 = arith.addi %add3A_4, %multiple_of3A : i32
    %add3A_6 = arith.constant 0 : i32
    %add3A_7 = arith.addi %add3A_5, %add3A_6 : i32
    %multiple_of3A_8 = tpu.assume_multiple %add3A_7, 8 : i32
    %dma_start3A = arith.constant 0 : i32
    %dma_start3A_9 = tpu.memref_slice %arg2[%multiple_of3A_8, %dma_start3A] : memref<100000x128xf32, #tpu.memory_space<hbm>> -> memref<224x128xf32, #tpu.memory_space<hbm>>
    %dma_start3A_10 = arith.constant 0 : i32
    %dma_start3A_11 = tpu.memref_slice %arg2[%multiple_of3A_8, %dma_start3A_10] : memref<100000x128xf32, #tpu.memory_space<hbm>> -> memref<224x128xf32, #tpu.memory_space<hbm>>
    tpu.enqueue_dma source(%dma_start3A_11 : memref<224x128xf32, #tpu.memory_space<hbm>>) target(%arg4 : memref<224x128xf32, #tpu.memory_space<vmem>>) target_semaphore(%arg8 : memref<!tpu.dma_semaphore, #tpu.memory_space<semaphore_mem>>)
    %add3A_12 = arith.constant 50000 : i32
    %add3A_13 = arith.addi %add3A_12, %multiple_of3A : i32
    %add3A_14 = arith.constant 224 : i32
    %add3A_15 = arith.addi %add3A_13, %add3A_14 : i32
    %multiple_of3A_16 = tpu.assume_multiple %add3A_15, 8 : i32
    %dma_start3A_17 = arith.constant 0 : i32
    %dma_start3A_18 = tpu.memref_slice %arg2[%multiple_of3A_16, %dma_start3A_17] : memref<100000x128xf32, #tpu.memory_space<hbm>> -> memref<224x128xf32, #tpu.memory_space<hbm>>
    %dma_start3A_19 = arith.constant 0 : i32
    %dma_start3A_20 = tpu.memref_slice %arg2[%multiple_of3A_16, %dma_start3A_19] : memref<100000x128xf32, #tpu.memory_space<hbm>> -> memref<224x128xf32, #tpu.memory_space<hbm>>
    tpu.enqueue_dma source(%dma_start3A_20 : memref<224x128xf32, #tpu.memory_space<hbm>>) target(%arg5 : memref<224x128xf32, #tpu.memory_space<vmem>>) target_semaphore(%arg10 : memref<!tpu.dma_semaphore, #tpu.memory_space<semaphore_mem>>)
    %dma_wait3A = arith.constant 0 : i32
    %dma_wait3A_21 = tpu.memref_slice %arg2[%multiple_of3A_8, %dma_wait3A] : memref<100000x128xf32, #tpu.memory_space<hbm>> -> memref<224x128xf32, #tpu.memory_space<hbm>>
    %dma_wait3A_22 = arith.constant 0 : i32
    %dma_wait3A_23 = tpu.memref_slice %arg2[%multiple_of3A_8, %dma_wait3A_22] : memref<100000x128xf32, #tpu.memory_space<hbm>> -> memref<224x128xf32, #tpu.memory_space<hbm>>
    tpu.wait_dma2 semaphore(%arg8 : memref<!tpu.dma_semaphore, #tpu.memory_space<semaphore_mem>>) src(%dma_wait3A_23 : memref<224x128xf32, #tpu.memory_space<hbm>>) dst(%arg4 : memref<224x128xf32, #tpu.memory_space<vmem>>)
    %add3A_24 = arith.constant 0 : i32
    %add3A_25 = arith.addi %multiple_of3A, %add3A_24 : i32
    %multiple_of3A_26 = tpu.assume_multiple %add3A_25, 8 : i32
    %dma_start3A_27 = arith.constant 0 : i32
    %dma_start3A_28 = tpu.memref_slice %arg3[%multiple_of3A_26, %dma_start3A_27] : memref<50000x128xf32, #tpu.memory_space<hbm>> -> memref<224x128xf32, #tpu.memory_space<hbm>>
    %dma_start3A_29 = arith.constant 0 : i32
    %dma_start3A_30 = tpu.memref_slice %arg3[%multiple_of3A_26, %dma_start3A_29] : memref<50000x128xf32, #tpu.memory_space<hbm>> -> memref<224x128xf32, #tpu.memory_space<hbm>>
    tpu.enqueue_dma source(%arg4 : memref<224x128xf32, #tpu.memory_space<vmem>>) target(%dma_start3A_30 : memref<224x128xf32, #tpu.memory_space<hbm>>) target_semaphore(%arg9 : memref<!tpu.dma_semaphore, #tpu.memory_space<semaphore_mem>>)
    %add3A_31 = arith.constant 50000 : i32
    %add3A_32 = arith.addi %add3A_31, %multiple_of3A : i32
    %add3A_33 = arith.constant 448 : i32
    %add3A_34 = arith.addi %add3A_32, %add3A_33 : i32
    %multiple_of3A_35 = tpu.assume_multiple %add3A_34, 8 : i32
    %dma_start3A_36 = arith.constant 0 : i32
    %dma_start3A_37 = arith.constant 0 : i32
    %dma_start3A_38 = tpu.memref_slice %arg7[%arg1, %dma_start3A_36, %dma_start3A_37] : memref<16x224x128xf32, #tpu.memory_space<vmem_shared>> -> memref<1x224x128xf32, #tpu.memory_space<vmem_shared>>
    %dma_start3A_39 = tpu.memref_squeeze %dma_start3A_38 : memref<1x224x128xf32, #tpu.memory_space<vmem_shared>> -> memref<224x128xf32, #tpu.memory_space<vmem_shared>>
    %dma_start3A_40 = arith.constant 0 : i32
    %dma_start3A_41 = tpu.memref_slice %arg2[%multiple_of3A_35, %dma_start3A_40] : memref<100000x128xf32, #tpu.memory_space<hbm>> -> memref<224x128xf32, #tpu.memory_space<hbm>>
    tpu.enqueue_dma source(%dma_start3A_41 : memref<224x128xf32, #tpu.memory_space<hbm>>) target(%dma_start3A_39 : memref<224x128xf32, #tpu.memory_space<vmem_shared>>) target_semaphore(%arg14 : memref<!tpu.dma_semaphore, #tpu.memory_space<semaphore_mem>>)
    %dma_wait3A_42 = arith.constant 0 : i32
    %dma_wait3A_43 = tpu.memref_slice %arg2[%multiple_of3A_16, %dma_wait3A_42] : memref<100000x128xf32, #tpu.memory_space<hbm>> -> memref<224x128xf32, #tpu.memory_space<hbm>>
    %dma_wait3A_44 = arith.constant 0 : i32
    %dma_wait3A_45 = tpu.memref_slice %arg2[%multiple_of3A_16, %dma_wait3A_44] : memref<100000x128xf32, #tpu.memory_space<hbm>> -> memref<224x128xf32, #tpu.memory_space<hbm>>
    tpu.wait_dma2 semaphore(%arg10 : memref<!tpu.dma_semaphore, #tpu.memory_space<semaphore_mem>>) src(%dma_wait3A_45 : memref<224x128xf32, #tpu.memory_space<hbm>>) dst(%arg5 : memref<224x128xf32, #tpu.memory_space<vmem>>)
    %add3A_46 = arith.constant 224 : i32
    %add3A_47 = arith.addi %multiple_of3A, %add3A_46 : i32
    %multiple_of3A_48 = tpu.assume_multiple %add3A_47, 8 : i32
    %dma_start3A_49 = arith.constant 0 : i32
    %dma_start3A_50 = tpu.memref_slice %arg3[%multiple_of3A_48, %dma_start3A_49] : memref<50000x128xf32, #tpu.memory_space<hbm>> -> memref<224x128xf32, #tpu.memory_space<hbm>>
    %dma_start3A_51 = arith.constant 0 : i32
    %dma_start3A_52 = tpu.memref_slice %arg3[%multiple_of3A_48, %dma_start3A_51] : memref<50000x128xf32, #tpu.memory_space<hbm>> -> memref<224x128xf32, #tpu.memory_space<hbm>>
    tpu.enqueue_dma source(%arg5 : memref<224x128xf32, #tpu.memory_space<vmem>>) target(%dma_start3A_52 : memref<224x128xf32, #tpu.memory_space<hbm>>) target_semaphore(%arg11 : memref<!tpu.dma_semaphore, #tpu.memory_space<semaphore_mem>>)
    %add3A_53 = arith.constant 50000 : i32
    %add3A_54 = arith.addi %add3A_53, %multiple_of3A : i32
    %add3A_55 = arith.constant 672 : i32
    %add3A_56 = arith.addi %add3A_54, %add3A_55 : i32
    %multiple_of3A_57 = tpu.assume_multiple %add3A_56, 8 : i32
    %dma_start3A_58 = arith.constant 0 : i32
    %dma_start3A_59 = tpu.memref_slice %arg2[%multiple_of3A_57, %dma_start3A_58] : memref<100000x128xf32, #tpu.memory_space<hbm>> -> memref<224x128xf32, #tpu.memory_space<hbm>>
    %dma_start3A_60 = arith.constant 0 : i32
    %dma_start3A_61 = tpu.memref_slice %arg2[%multiple_of3A_57, %dma_start3A_60] : memref<100000x128xf32, #tpu.memory_space<hbm>> -> memref<224x128xf32, #tpu.memory_space<hbm>>
    tpu.enqueue_dma source(%dma_start3A_61 : memref<224x128xf32, #tpu.memory_space<hbm>>) target(%arg6 : memref<224x128xf32, #tpu.memory_space<vmem>>) target_semaphore(%arg12 : memref<!tpu.dma_semaphore, #tpu.memory_space<semaphore_mem>>)
    %dma_wait3A_62 = arith.constant 0 : i32
    %dma_wait3A_63 = arith.constant 0 : i32
    %dma_wait3A_64 = tpu.memref_slice %arg7[%arg1, %dma_wait3A_62, %dma_wait3A_63] : memref<16x224x128xf32, #tpu.memory_space<vmem_shared>> -> memref<1x224x128xf32, #tpu.memory_space<vmem_shared>>
    %dma_wait3A_65 = tpu.memref_squeeze %dma_wait3A_64 : memref<1x224x128xf32, #tpu.memory_space<vmem_shared>> -> memref<224x128xf32, #tpu.memory_space<vmem_shared>>
    %dma_wait3A_66 = arith.constant 0 : i32
    %dma_wait3A_67 = tpu.memref_slice %arg2[%multiple_of3A_35, %dma_wait3A_66] : memref<100000x128xf32, #tpu.memory_space<hbm>> -> memref<224x128xf32, #tpu.memory_space<hbm>>
    tpu.wait_dma2 semaphore(%arg14 : memref<!tpu.dma_semaphore, #tpu.memory_space<semaphore_mem>>) src(%dma_wait3A_67 : memref<224x128xf32, #tpu.memory_space<hbm>>) dst(%dma_wait3A_65 : memref<224x128xf32, #tpu.memory_space<vmem_shared>>)
    %add3A_68 = arith.constant 448 : i32
    %add3A_69 = arith.addi %multiple_of3A, %add3A_68 : i32
    %multiple_of3A_70 = tpu.assume_multiple %add3A_69, 8 : i32
    %dma_start3A_71 = arith.constant 0 : i32
    %dma_start3A_72 = tpu.memref_slice %arg3[%multiple_of3A_70, %dma_start3A_71] : memref<50000x128xf32, #tpu.memory_space<hbm>> -> memref<224x128xf32, #tpu.memory_space<hbm>>
    %dma_start3A_73 = arith.constant 0 : i32
    %dma_start3A_74 = arith.constant 0 : i32
    %dma_start3A_75 = tpu.memref_slice %arg7[%arg1, %dma_start3A_73, %dma_start3A_74] : memref<16x224x128xf32, #tpu.memory_space<vmem_shared>> -> memref<1x224x128xf32, #tpu.memory_space<vmem_shared>>
    %dma_start3A_76 = tpu.memref_squeeze %dma_start3A_75 : memref<1x224x128xf32, #tpu.memory_space<vmem_shared>> -> memref<224x128xf32, #tpu.memory_space<vmem_shared>>
    tpu.enqueue_dma source(%dma_start3A_76 : memref<224x128xf32, #tpu.memory_space<vmem_shared>>) target(%dma_start3A_72 : memref<224x128xf32, #tpu.memory_space<hbm>>) target_semaphore(%arg15 : memref<!tpu.dma_semaphore, #tpu.memory_space<semaphore_mem>>)
    %dma_wait3A_77 = arith.constant 0 : i32
    %dma_wait3A_78 = tpu.memref_slice %arg3[%multiple_of3A_26, %dma_wait3A_77] : memref<50000x128xf32, #tpu.memory_space<hbm>> -> memref<224x128xf32, #tpu.memory_space<hbm>>
    %dma_wait3A_79 = arith.constant 0 : i32
    %dma_wait3A_80 = tpu.memref_slice %arg3[%multiple_of3A_26, %dma_wait3A_79] : memref<50000x128xf32, #tpu.memory_space<hbm>> -> memref<224x128xf32, #tpu.memory_space<hbm>>
    tpu.wait_dma2 semaphore(%arg9 : memref<!tpu.dma_semaphore, #tpu.memory_space<semaphore_mem>>) src(%arg4 : memref<224x128xf32, #tpu.memory_space<vmem>>) dst(%dma_wait3A_80 : memref<224x128xf32, #tpu.memory_space<hbm>>)
    %add3A_81 = arith.constant 50000 : i32
    %add3A_82 = arith.addi %add3A_81, %multiple_of3A : i32
    %add3A_83 = arith.constant 896 : i32
    %add3A_84 = arith.addi %add3A_82, %add3A_83 : i32
    %multiple_of3A_85 = tpu.assume_multiple %add3A_84, 8 : i32
    %dma_start3A_86 = arith.constant 0 : i32
    %dma_start3A_87 = tpu.memref_slice %arg2[%multiple_of3A_85, %dma_start3A_86] : memref<100000x128xf32, #tpu.memory_space<hbm>> -> memref<224x128xf32, #tpu.memory_space<hbm>>
    %dma_start3A_88 = arith.constant 0 : i32
    %dma_start3A_89 = tpu.memref_slice %arg2[%multiple_of3A_85, %dma_start3A_88] : memref<100000x128xf32, #tpu.memory_space<hbm>> -> memref<224x128xf32, #tpu.memory_space<hbm>>
    tpu.enqueue_dma source(%dma_start3A_89 : memref<224x128xf32, #tpu.memory_space<hbm>>) target(%arg4 : memref<224x128xf32, #tpu.memory_space<vmem>>) target_semaphore(%arg8 : memref<!tpu.dma_semaphore, #tpu.memory_space<semaphore_mem>>)
    %dma_wait3A_90 = arith.constant 0 : i32
    %dma_wait3A_91 = tpu.memref_slice %arg2[%multiple_of3A_57, %dma_wait3A_90] : memref<100000x128xf32, #tpu.memory_space<hbm>> -> memref<224x128xf32, #tpu.memory_space<hbm>>
    %dma_wait3A_92 = arith.constant 0 : i32
    %dma_wait3A_93 = tpu.memref_slice %arg2[%multiple_of3A_57, %dma_wait3A_92] : memref<100000x128xf32, #tpu.memory_space<hbm>> -> memref<224x128xf32, #tpu.memory_space<hbm>>
    tpu.wait_dma2 semaphore(%arg12 : memref<!tpu.dma_semaphore, #tpu.memory_space<semaphore_mem>>) src(%dma_wait3A_93 : memref<224x128xf32, #tpu.memory_space<hbm>>) dst(%arg6 : memref<224x128xf32, #tpu.memory_space<vmem>>)
    %add3A_94 = arith.constant 672 : i32
    %add3A_95 = arith.addi %multiple_of3A, %add3A_94 : i32
    %multiple_of3A_96 = tpu.assume_multiple %add3A_95, 8 : i32
    %dma_start3A_97 = arith.constant 0 : i32
    %dma_start3A_98 = tpu.memref_slice %arg3[%multiple_of3A_96, %dma_start3A_97] : memref<50000x128xf32, #tpu.memory_space<hbm>> -> memref<224x128xf32, #tpu.memory_space<hbm>>
    %dma_start3A_99 = arith.constant 0 : i32
    %dma_start3A_100 = tpu.memref_slice %arg3[%multiple_of3A_96, %dma_start3A_99] : memref<50000x128xf32, #tpu.memory_space<hbm>> -> memref<224x128xf32, #tpu.memory_space<hbm>>
    tpu.enqueue_dma source(%arg6 : memref<224x128xf32, #tpu.memory_space<vmem>>) target(%dma_start3A_100 : memref<224x128xf32, #tpu.memory_space<hbm>>) target_semaphore(%arg13 : memref<!tpu.dma_semaphore, #tpu.memory_space<semaphore_mem>>)
    %dma_wait3A_101 = arith.constant 0 : i32
    %dma_wait3A_102 = tpu.memref_slice %arg3[%multiple_of3A_70, %dma_wait3A_101] : memref<50000x128xf32, #tpu.memory_space<hbm>> -> memref<224x128xf32, #tpu.memory_space<hbm>>
    %dma_wait3A_103 = arith.constant 0 : i32
    %dma_wait3A_104 = arith.constant 0 : i32
    %dma_wait3A_105 = tpu.memref_slice %arg7[%arg1, %dma_wait3A_103, %dma_wait3A_104] : memref<16x224x128xf32, #tpu.memory_space<vmem_shared>> -> memref<1x224x128xf32, #tpu.memory_space<vmem_shared>>
    %dma_wait3A_106 = tpu.memref_squeeze %dma_wait3A_105 : memref<1x224x128xf32, #tpu.memory_space<vmem_shared>> -> memref<224x128xf32, #tpu.memory_space<vmem_shared>>
    tpu.wait_dma2 semaphore(%arg15 : memref<!tpu.dma_semaphore, #tpu.memory_space<semaphore_mem>>) src(%dma_wait3A_106 : memref<224x128xf32, #tpu.memory_space<vmem_shared>>) dst(%dma_wait3A_102 : memref<224x128xf32, #tpu.memory_space<hbm>>)
    %add3A_107 = arith.constant 50000 : i32
    %add3A_108 = arith.addi %add3A_107, %multiple_of3A : i32
    %add3A_109 = arith.constant 1120 : i32
    %add3A_110 = arith.addi %add3A_108, %add3A_109 : i32
    %multiple_of3A_111 = tpu.assume_multiple %add3A_110, 8 : i32
    %dma_start3A_112 = arith.constant 0 : i32
    %dma_start3A_113 = arith.constant 0 : i32
    %dma_start3A_114 = tpu.memref_slice %arg7[%arg1, %dma_start3A_112, %dma_start3A_113] : memref<16x224x128xf32, #tpu.memory_space<vmem_shared>> -> memref<1x224x128xf32, #tpu.memory_space<vmem_shared>>
    %dma_start3A_115 = tpu.memref_squeeze %dma_start3A_114 : memref<1x224x128xf32, #tpu.memory_space<vmem_shared>> -> memref<224x128xf32, #tpu.memory_space<vmem_shared>>
    %dma_start3A_116 = arith.constant 0 : i32
    %dma_start3A_117 = tpu.memref_slice %arg2[%multiple_of3A_111, %dma_start3A_116] : memref<100000x128xf32, #tpu.memory_space<hbm>> -> memref<224x128xf32, #tpu.memory_space<hbm>>
    tpu.enqueue_dma source(%dma_start3A_117 : memref<224x128xf32, #tpu.memory_space<hbm>>) target(%dma_start3A_115 : memref<224x128xf32, #tpu.memory_space<vmem_shared>>) target_semaphore(%arg14 : memref<!tpu.dma_semaphore, #tpu.memory_space<semaphore_mem>>)
    %dma_wait3A_118 = arith.constant 0 : i32
    %dma_wait3A_119 = tpu.memref_slice %arg2[%multiple_of3A_85, %dma_wait3A_118] : memref<100000x128xf32, #tpu.memory_space<hbm>> -> memref<224x128xf32, #tpu.memory_space<hbm>>
    %dma_wait3A_120 = arith.constant 0 : i32
    %dma_wait3A_121 = tpu.memref_slice %arg2[%multiple_of3A_85, %dma_wait3A_120] : memref<100000x128xf32, #tpu.memory_space<hbm>> -> memref<224x128xf32, #tpu.memory_space<hbm>>
    tpu.wait_dma2 semaphore(%arg8 : memref<!tpu.dma_semaphore, #tpu.memory_space<semaphore_mem>>) src(%dma_wait3A_121 : memref<224x128xf32, #tpu.memory_space<hbm>>) dst(%arg4 : memref<224x128xf32, #tpu.memory_space<vmem>>)
    %add3A_122 = arith.constant 896 : i32
    %add3A_123 = arith.addi %multiple_of3A, %add3A_122 : i32
    %multiple_of3A_124 = tpu.assume_multiple %add3A_123, 8 : i32
    %dma_start3A_125 = arith.constant 0 : i32
    %dma_start3A_126 = tpu.memref_slice %arg3[%multiple_of3A_124, %dma_start3A_125] : memref<50000x128xf32, #tpu.memory_space<hbm>> -> memref<224x128xf32, #tpu.memory_space<hbm>>
    %dma_start3A_127 = arith.constant 0 : i32
    %dma_start3A_128 = tpu.memref_slice %arg3[%multiple_of3A_124, %dma_start3A_127] : memref<50000x128xf32, #tpu.memory_space<hbm>> -> memref<224x128xf32, #tpu.memory_space<hbm>>
    tpu.enqueue_dma source(%arg4 : memref<224x128xf32, #tpu.memory_space<vmem>>) target(%dma_start3A_128 : memref<224x128xf32, #tpu.memory_space<hbm>>) target_semaphore(%arg9 : memref<!tpu.dma_semaphore, #tpu.memory_space<semaphore_mem>>)
    %dma_wait3A_129 = arith.constant 0 : i32
    %dma_wait3A_130 = tpu.memref_slice %arg3[%multiple_of3A_48, %dma_wait3A_129] : memref<50000x128xf32, #tpu.memory_space<hbm>> -> memref<224x128xf32, #tpu.memory_space<hbm>>
    %dma_wait3A_131 = arith.constant 0 : i32
    %dma_wait3A_132 = tpu.memref_slice %arg3[%multiple_of3A_48, %dma_wait3A_131] : memref<50000x128xf32, #tpu.memory_space<hbm>> -> memref<224x128xf32, #tpu.memory_space<hbm>>
    tpu.wait_dma2 semaphore(%arg11 : memref<!tpu.dma_semaphore, #tpu.memory_space<semaphore_mem>>) src(%arg5 : memref<224x128xf32, #tpu.memory_space<vmem>>) dst(%dma_wait3A_132 : memref<224x128xf32, #tpu.memory_space<hbm>>)
    %add3A_133 = arith.constant 50000 : i32
    %add3A_134 = arith.addi %add3A_133, %multiple_of3A : i32
    %add3A_135 = arith.constant 1344 : i32
    %add3A_136 = arith.addi %add3A_134, %add3A_135 : i32
    %multiple_of3A_137 = tpu.assume_multiple %add3A_136, 8 : i32
    %dma_start3A_138 = arith.constant 0 : i32
    %dma_start3A_139 = tpu.memref_slice %arg2[%multiple_of3A_137, %dma_start3A_138] : memref<100000x128xf32, #tpu.memory_space<hbm>> -> memref<224x128xf32, #tpu.memory_space<hbm>>
    %dma_start3A_140 = arith.constant 0 : i32
    %dma_start3A_141 = tpu.memref_slice %arg2[%multiple_of3A_137, %dma_start3A_140] : memref<100000x128xf32, #tpu.memory_space<hbm>> -> memref<224x128xf32, #tpu.memory_space<hbm>>
    tpu.enqueue_dma source(%dma_start3A_141 : memref<224x128xf32, #tpu.memory_space<hbm>>) target(%arg5 : memref<224x128xf32, #tpu.memory_space<vmem>>) target_semaphore(%arg10 : memref<!tpu.dma_semaphore, #tpu.memory_space<semaphore_mem>>)
    %dma_wait3A_142 = arith.constant 0 : i32
    %dma_wait3A_143 = arith.constant 0 : i32
    %dma_wait3A_144 = tpu.memref_slice %arg7[%arg1, %dma_wait3A_142, %dma_wait3A_143] : memref<16x224x128xf32, #tpu.memory_space<vmem_shared>> -> memref<1x224x128xf32, #tpu.memory_space<vmem_shared>>
    %dma_wait3A_145 = tpu.memref_squeeze %dma_wait3A_144 : memref<1x224x128xf32, #tpu.memory_space<vmem_shared>> -> memref<224x128xf32, #tpu.memory_space<vmem_shared>>
    %dma_wait3A_146 = arith.constant 0 : i32
    %dma_wait3A_147 = tpu.memref_slice %arg2[%multiple_of3A_111, %dma_wait3A_146] : memref<100000x128xf32, #tpu.memory_space<hbm>> -> memref<224x128xf32, #tpu.memory_space<hbm>>
    tpu.wait_dma2 semaphore(%arg14 : memref<!tpu.dma_semaphore, #tpu.memory_space<semaphore_mem>>) src(%dma_wait3A_147 : memref<224x128xf32, #tpu.memory_space<hbm>>) dst(%dma_wait3A_145 : memref<224x128xf32, #tpu.memory_space<vmem_shared>>)
    %add3A_148 = arith.constant 1120 : i32
    %add3A_149 = arith.addi %multiple_of3A, %add3A_148 : i32
    %multiple_of3A_150 = tpu.assume_multiple %add3A_149, 8 : i32
    %dma_start3A_151 = arith.constant 0 : i32
    %dma_start3A_152 = tpu.memref_slice %arg3[%multiple_of3A_150, %dma_start3A_151] : memref<50000x128xf32, #tpu.memory_space<hbm>> -> memref<224x128xf32, #tpu.memory_space<hbm>>
    %dma_start3A_153 = arith.constant 0 : i32
    %dma_start3A_154 = arith.constant 0 : i32
    %dma_start3A_155 = tpu.memref_slice %arg7[%arg1, %dma_start3A_153, %dma_start3A_154] : memref<16x224x128xf32, #tpu.memory_space<vmem_shared>> -> memref<1x224x128xf32, #tpu.memory_space<vmem_shared>>
    %dma_start3A_156 = tpu.memref_squeeze %dma_start3A_155 : memref<1x224x128xf32, #tpu.memory_space<vmem_shared>> -> memref<224x128xf32, #tpu.memory_space<vmem_shared>>
    tpu.enqueue_dma source(%dma_start3A_156 : memref<224x128xf32, #tpu.memory_space<vmem_shared>>) target(%dma_start3A_152 : memref<224x128xf32, #tpu.memory_space<hbm>>) target_semaphore(%arg15 : memref<!tpu.dma_semaphore, #tpu.memory_space<semaphore_mem>>)
    %dma_wait3A_157 = arith.constant 0 : i32
    %dma_wait3A_158 = tpu.memref_slice %arg2[%multiple_of3A_137, %dma_wait3A_157] : memref<100000x128xf32, #tpu.memory_space<hbm>> -> memref<224x128xf32, #tpu.memory_space<hbm>>
    %dma_wait3A_159 = arith.constant 0 : i32
    %dma_wait3A_160 = tpu.memref_slice %arg2[%multiple_of3A_137, %dma_wait3A_159] : memref<100000x128xf32, #tpu.memory_space<hbm>> -> memref<224x128xf32, #tpu.memory_space<hbm>>
    tpu.wait_dma2 semaphore(%arg10 : memref<!tpu.dma_semaphore, #tpu.memory_space<semaphore_mem>>) src(%dma_wait3A_160 : memref<224x128xf32, #tpu.memory_space<hbm>>) dst(%arg5 : memref<224x128xf32, #tpu.memory_space<vmem>>)
    %add3A_161 = arith.constant 1344 : i32
    %add3A_162 = arith.addi %multiple_of3A, %add3A_161 : i32
    %multiple_of3A_163 = tpu.assume_multiple %add3A_162, 8 : i32
    %dma_start3A_164 = arith.constant 0 : i32
    %dma_start3A_165 = tpu.memref_slice %arg3[%multiple_of3A_163, %dma_start3A_164] : memref<50000x128xf32, #tpu.memory_space<hbm>> -> memref<224x128xf32, #tpu.memory_space<hbm>>
    %dma_start3A_166 = arith.constant 0 : i32
    %dma_start3A_167 = tpu.memref_slice %arg3[%multiple_of3A_163, %dma_start3A_166] : memref<50000x128xf32, #tpu.memory_space<hbm>> -> memref<224x128xf32, #tpu.memory_space<hbm>>
    tpu.enqueue_dma source(%arg5 : memref<224x128xf32, #tpu.memory_space<vmem>>) target(%dma_start3A_167 : memref<224x128xf32, #tpu.memory_space<hbm>>) target_semaphore(%arg11 : memref<!tpu.dma_semaphore, #tpu.memory_space<semaphore_mem>>)
    %dma_wait3A_168 = arith.constant 0 : i32
    %dma_wait3A_169 = tpu.memref_slice %arg3[%multiple_of3A_96, %dma_wait3A_168] : memref<50000x128xf32, #tpu.memory_space<hbm>> -> memref<224x128xf32, #tpu.memory_space<hbm>>
    %dma_wait3A_170 = arith.constant 0 : i32
    %dma_wait3A_171 = tpu.memref_slice %arg3[%multiple_of3A_96, %dma_wait3A_170] : memref<50000x128xf32, #tpu.memory_space<hbm>> -> memref<224x128xf32, #tpu.memory_space<hbm>>
    tpu.wait_dma2 semaphore(%arg13 : memref<!tpu.dma_semaphore, #tpu.memory_space<semaphore_mem>>) src(%arg6 : memref<224x128xf32, #tpu.memory_space<vmem>>) dst(%dma_wait3A_171 : memref<224x128xf32, #tpu.memory_space<hbm>>)
    %dma_wait3A_172 = arith.constant 0 : i32
    %dma_wait3A_173 = tpu.memref_slice %arg3[%multiple_of3A_124, %dma_wait3A_172] : memref<50000x128xf32, #tpu.memory_space<hbm>> -> memref<224x128xf32, #tpu.memory_space<hbm>>
    %dma_wait3A_174 = arith.constant 0 : i32
    %dma_wait3A_175 = tpu.memref_slice %arg3[%multiple_of3A_124, %dma_wait3A_174] : memref<50000x128xf32, #tpu.memory_space<hbm>> -> memref<224x128xf32, #tpu.memory_space<hbm>>
    tpu.wait_dma2 semaphore(%arg9 : memref<!tpu.dma_semaphore, #tpu.memory_space<semaphore_mem>>) src(%arg4 : memref<224x128xf32, #tpu.memory_space<vmem>>) dst(%dma_wait3A_175 : memref<224x128xf32, #tpu.memory_space<hbm>>)
    %dma_wait3A_176 = arith.constant 0 : i32
    %dma_wait3A_177 = tpu.memref_slice %arg3[%multiple_of3A_150, %dma_wait3A_176] : memref<50000x128xf32, #tpu.memory_space<hbm>> -> memref<224x128xf32, #tpu.memory_space<hbm>>
    %dma_wait3A_178 = arith.constant 0 : i32
    %dma_wait3A_179 = arith.constant 0 : i32
    %dma_wait3A_180 = tpu.memref_slice %arg7[%arg1, %dma_wait3A_178, %dma_wait3A_179] : memref<16x224x128xf32, #tpu.memory_space<vmem_shared>> -> memref<1x224x128xf32, #tpu.memory_space<vmem_shared>>
    %dma_wait3A_181 = tpu.memref_squeeze %dma_wait3A_180 : memref<1x224x128xf32, #tpu.memory_space<vmem_shared>> -> memref<224x128xf32, #tpu.memory_space<vmem_shared>>
    tpu.wait_dma2 semaphore(%arg15 : memref<!tpu.dma_semaphore, #tpu.memory_space<semaphore_mem>>) src(%dma_wait3A_181 : memref<224x128xf32, #tpu.memory_space<vmem_shared>>) dst(%dma_wait3A_177 : memref<224x128xf32, #tpu.memory_space<hbm>>)
    %dma_wait3A_182 = arith.constant 0 : i32
    %dma_wait3A_183 = tpu.memref_slice %arg3[%multiple_of3A_163, %dma_wait3A_182] : memref<50000x128xf32, #tpu.memory_space<hbm>> -> memref<224x128xf32, #tpu.memory_space<hbm>>
    %dma_wait3A_184 = arith.constant 0 : i32
    %dma_wait3A_185 = tpu.memref_slice %arg3[%multiple_of3A_163, %dma_wait3A_184] : memref<50000x128xf32, #tpu.memory_space<hbm>> -> memref<224x128xf32, #tpu.memory_space<hbm>>
    tpu.wait_dma2 semaphore(%arg11 : memref<!tpu.dma_semaphore, #tpu.memory_space<semaphore_mem>>) src(%arg5 : memref<224x128xf32, #tpu.memory_space<vmem>>) dst(%dma_wait3A_185 : memref<224x128xf32, #tpu.memory_space<hbm>>)
    return
  }
}

#map = affine_map<(d0, d1) -> (0, 0)>
module attributes {stable_mosaic.version = 14 : i64} {
  func.func @sc_slice_copy_0(%arg0: i32, %arg1: i32, %arg2: memref<100000x128xf32, #tpu.memory_space<hbm>>, %arg3: memref<50000x128xf32, #tpu.memory_space<hbm>>, %arg4: memref<224x128xf32, #tpu.memory_space<vmem>>, %arg5: memref<224x128xf32, #tpu.memory_space<vmem>>, %arg6: memref<224x128xf32, #tpu.memory_space<vmem>>, %arg7: memref<16x224x128xf32, #tpu.memory_space<vmem_shared>>, %arg8: memref<!tpu.dma_semaphore, #tpu.memory_space<semaphore_mem>>, %arg9: memref<!tpu.dma_semaphore, #tpu.memory_space<semaphore_mem>>, %arg10: memref<!tpu.dma_semaphore, #tpu.memory_space<semaphore_mem>>, %arg11: memref<!tpu.dma_semaphore, #tpu.memory_space<semaphore_mem>>, %arg12: memref<!tpu.dma_semaphore, #tpu.memory_space<semaphore_mem>>, %arg13: memref<!tpu.dma_semaphore, #tpu.memory_space<semaphore_mem>>, %arg14: memref<!tpu.dma_semaphore, #tpu.memory_space<semaphore_mem>>, %arg15: memref<!tpu.dma_semaphore, #tpu.memory_space<semaphore_mem>>) attributes {dimension_semantics = [#tpu.dimension_semantics<core_parallel>, #tpu.dimension_semantics<subcore_parallel>], iteration_bounds = array<i64: 2, 16>, scalar_prefetch = 0 : i64, scratch_operands = 12 : i64, tpu.core_type = #tpu.core_type<sc_vector_subcore>, window_params = [{transform_indices = #map}, {transform_indices = #map}]} {
    %mul3A = arith.constant 2 : i32
    %mul3A_0 = arith.muli %arg1, %mul3A : i32
    %add3A = arith.addi %mul3A_0, %arg0 : i32
    %mul3A_1 = arith.constant 1568 : i32
    %mul3A_2 = arith.muli %add3A, %mul3A_1 : i32
    %min3A = arith.constant 48432 : i32
    %min3A_3 = arith.minsi %mul3A_2, %min3A : i32
    %multiple_of3A = tpu.assume_multiple %min3A_3, 8 : i32
    %add3A_4 = arith.constant 0 : i32
    %add3A_5 = arith.addi %add3A_4, %multiple_of3A : i32
    %add3A_6 = arith.constant 0 : i32
    %add3A_7 = arith.addi %add3A_5, %add3A_6 : i32
    %multiple_of3A_8 = tpu.assume_multiple %add3A_7, 8 : i32
    %dma_start3A = arith.constant 0 : i32
    %dma_start3A_9 = tpu.memref_slice %arg2[%multiple_of3A_8, %dma_start3A] : memref<100000x128xf32, #tpu.memory_space<hbm>> -> memref<224x128xf32, #tpu.memory_space<hbm>>
    %dma_start3A_10 = arith.constant 0 : i32
    %dma_start3A_11 = tpu.memref_slice %arg2[%multiple_of3A_8, %dma_start3A_10] : memref<100000x128xf32, #tpu.memory_space<hbm>> -> memref<224x128xf32, #tpu.memory_space<hbm>>
    tpu.enqueue_dma source(%dma_start3A_11 : memref<224x128xf32, #tpu.memory_space<hbm>>) target(%arg4 : memref<224x128xf32, #tpu.memory_space<vmem>>) target_semaphore(%arg8 : memref<!tpu.dma_semaphore, #tpu.memory_space<semaphore_mem>>)
    %add3A_12 = arith.constant 0 : i32
    %add3A_13 = arith.addi %add3A_12, %multiple_of3A : i32
    %add3A_14 = arith.constant 224 : i32
    %add3A_15 = arith.addi %add3A_13, %add3A_14 : i32
    %multiple_of3A_16 = tpu.assume_multiple %add3A_15, 8 : i32
    %dma_start3A_17 = arith.constant 0 : i32
    %dma_start3A_18 = tpu.memref_slice %arg2[%multiple_of3A_16, %dma_start3A_17] : memref<100000x128xf32, #tpu.memory_space<hbm>> -> memref<224x128xf32, #tpu.memory_space<hbm>>
    %dma_start3A_19 = arith.constant 0 : i32
    %dma_start3A_20 = tpu.memref_slice %arg2[%multiple_of3A_16, %dma_start3A_19] : memref<100000x128xf32, #tpu.memory_space<hbm>> -> memref<224x128xf32, #tpu.memory_space<hbm>>
    tpu.enqueue_dma source(%dma_start3A_20 : memref<224x128xf32, #tpu.memory_space<hbm>>) target(%arg5 : memref<224x128xf32, #tpu.memory_space<vmem>>) target_semaphore(%arg10 : memref<!tpu.dma_semaphore, #tpu.memory_space<semaphore_mem>>)
    %dma_wait3A = arith.constant 0 : i32
    %dma_wait3A_21 = tpu.memref_slice %arg2[%multiple_of3A_8, %dma_wait3A] : memref<100000x128xf32, #tpu.memory_space<hbm>> -> memref<224x128xf32, #tpu.memory_space<hbm>>
    %dma_wait3A_22 = arith.constant 0 : i32
    %dma_wait3A_23 = tpu.memref_slice %arg2[%multiple_of3A_8, %dma_wait3A_22] : memref<100000x128xf32, #tpu.memory_space<hbm>> -> memref<224x128xf32, #tpu.memory_space<hbm>>
    tpu.wait_dma2 semaphore(%arg8 : memref<!tpu.dma_semaphore, #tpu.memory_space<semaphore_mem>>) src(%dma_wait3A_23 : memref<224x128xf32, #tpu.memory_space<hbm>>) dst(%arg4 : memref<224x128xf32, #tpu.memory_space<vmem>>)
    %add3A_24 = arith.constant 0 : i32
    %add3A_25 = arith.addi %multiple_of3A, %add3A_24 : i32
    %multiple_of3A_26 = tpu.assume_multiple %add3A_25, 8 : i32
    %dma_start3A_27 = arith.constant 0 : i32
    %dma_start3A_28 = tpu.memref_slice %arg3[%multiple_of3A_26, %dma_start3A_27] : memref<50000x128xf32, #tpu.memory_space<hbm>> -> memref<224x128xf32, #tpu.memory_space<hbm>>
    %dma_start3A_29 = arith.constant 0 : i32
    %dma_start3A_30 = tpu.memref_slice %arg3[%multiple_of3A_26, %dma_start3A_29] : memref<50000x128xf32, #tpu.memory_space<hbm>> -> memref<224x128xf32, #tpu.memory_space<hbm>>
    tpu.enqueue_dma source(%arg4 : memref<224x128xf32, #tpu.memory_space<vmem>>) target(%dma_start3A_30 : memref<224x128xf32, #tpu.memory_space<hbm>>) target_semaphore(%arg9 : memref<!tpu.dma_semaphore, #tpu.memory_space<semaphore_mem>>)
    %add3A_31 = arith.constant 0 : i32
    %add3A_32 = arith.addi %add3A_31, %multiple_of3A : i32
    %add3A_33 = arith.constant 448 : i32
    %add3A_34 = arith.addi %add3A_32, %add3A_33 : i32
    %multiple_of3A_35 = tpu.assume_multiple %add3A_34, 8 : i32
    %dma_start3A_36 = arith.constant 0 : i32
    %dma_start3A_37 = arith.constant 0 : i32
    %dma_start3A_38 = tpu.memref_slice %arg7[%arg1, %dma_start3A_36, %dma_start3A_37] : memref<16x224x128xf32, #tpu.memory_space<vmem_shared>> -> memref<1x224x128xf32, #tpu.memory_space<vmem_shared>>
    %dma_start3A_39 = tpu.memref_squeeze %dma_start3A_38 : memref<1x224x128xf32, #tpu.memory_space<vmem_shared>> -> memref<224x128xf32, #tpu.memory_space<vmem_shared>>
    %dma_start3A_40 = arith.constant 0 : i32
    %dma_start3A_41 = tpu.memref_slice %arg2[%multiple_of3A_35, %dma_start3A_40] : memref<100000x128xf32, #tpu.memory_space<hbm>> -> memref<224x128xf32, #tpu.memory_space<hbm>>
    tpu.enqueue_dma source(%dma_start3A_41 : memref<224x128xf32, #tpu.memory_space<hbm>>) target(%dma_start3A_39 : memref<224x128xf32, #tpu.memory_space<vmem_shared>>) target_semaphore(%arg14 : memref<!tpu.dma_semaphore, #tpu.memory_space<semaphore_mem>>)
    %dma_wait3A_42 = arith.constant 0 : i32
    %dma_wait3A_43 = tpu.memref_slice %arg2[%multiple_of3A_16, %dma_wait3A_42] : memref<100000x128xf32, #tpu.memory_space<hbm>> -> memref<224x128xf32, #tpu.memory_space<hbm>>
    %dma_wait3A_44 = arith.constant 0 : i32
    %dma_wait3A_45 = tpu.memref_slice %arg2[%multiple_of3A_16, %dma_wait3A_44] : memref<100000x128xf32, #tpu.memory_space<hbm>> -> memref<224x128xf32, #tpu.memory_space<hbm>>
    tpu.wait_dma2 semaphore(%arg10 : memref<!tpu.dma_semaphore, #tpu.memory_space<semaphore_mem>>) src(%dma_wait3A_45 : memref<224x128xf32, #tpu.memory_space<hbm>>) dst(%arg5 : memref<224x128xf32, #tpu.memory_space<vmem>>)
    %add3A_46 = arith.constant 224 : i32
    %add3A_47 = arith.addi %multiple_of3A, %add3A_46 : i32
    %multiple_of3A_48 = tpu.assume_multiple %add3A_47, 8 : i32
    %dma_start3A_49 = arith.constant 0 : i32
    %dma_start3A_50 = tpu.memref_slice %arg3[%multiple_of3A_48, %dma_start3A_49] : memref<50000x128xf32, #tpu.memory_space<hbm>> -> memref<224x128xf32, #tpu.memory_space<hbm>>
    %dma_start3A_51 = arith.constant 0 : i32
    %dma_start3A_52 = tpu.memref_slice %arg3[%multiple_of3A_48, %dma_start3A_51] : memref<50000x128xf32, #tpu.memory_space<hbm>> -> memref<224x128xf32, #tpu.memory_space<hbm>>
    tpu.enqueue_dma source(%arg5 : memref<224x128xf32, #tpu.memory_space<vmem>>) target(%dma_start3A_52 : memref<224x128xf32, #tpu.memory_space<hbm>>) target_semaphore(%arg11 : memref<!tpu.dma_semaphore, #tpu.memory_space<semaphore_mem>>)
    %add3A_53 = arith.constant 0 : i32
    %add3A_54 = arith.addi %add3A_53, %multiple_of3A : i32
    %add3A_55 = arith.constant 672 : i32
    %add3A_56 = arith.addi %add3A_54, %add3A_55 : i32
    %multiple_of3A_57 = tpu.assume_multiple %add3A_56, 8 : i32
    %dma_start3A_58 = arith.constant 0 : i32
    %dma_start3A_59 = tpu.memref_slice %arg2[%multiple_of3A_57, %dma_start3A_58] : memref<100000x128xf32, #tpu.memory_space<hbm>> -> memref<224x128xf32, #tpu.memory_space<hbm>>
    %dma_start3A_60 = arith.constant 0 : i32
    %dma_start3A_61 = tpu.memref_slice %arg2[%multiple_of3A_57, %dma_start3A_60] : memref<100000x128xf32, #tpu.memory_space<hbm>> -> memref<224x128xf32, #tpu.memory_space<hbm>>
    tpu.enqueue_dma source(%dma_start3A_61 : memref<224x128xf32, #tpu.memory_space<hbm>>) target(%arg6 : memref<224x128xf32, #tpu.memory_space<vmem>>) target_semaphore(%arg12 : memref<!tpu.dma_semaphore, #tpu.memory_space<semaphore_mem>>)
    %dma_wait3A_62 = arith.constant 0 : i32
    %dma_wait3A_63 = arith.constant 0 : i32
    %dma_wait3A_64 = tpu.memref_slice %arg7[%arg1, %dma_wait3A_62, %dma_wait3A_63] : memref<16x224x128xf32, #tpu.memory_space<vmem_shared>> -> memref<1x224x128xf32, #tpu.memory_space<vmem_shared>>
    %dma_wait3A_65 = tpu.memref_squeeze %dma_wait3A_64 : memref<1x224x128xf32, #tpu.memory_space<vmem_shared>> -> memref<224x128xf32, #tpu.memory_space<vmem_shared>>
    %dma_wait3A_66 = arith.constant 0 : i32
    %dma_wait3A_67 = tpu.memref_slice %arg2[%multiple_of3A_35, %dma_wait3A_66] : memref<100000x128xf32, #tpu.memory_space<hbm>> -> memref<224x128xf32, #tpu.memory_space<hbm>>
    tpu.wait_dma2 semaphore(%arg14 : memref<!tpu.dma_semaphore, #tpu.memory_space<semaphore_mem>>) src(%dma_wait3A_67 : memref<224x128xf32, #tpu.memory_space<hbm>>) dst(%dma_wait3A_65 : memref<224x128xf32, #tpu.memory_space<vmem_shared>>)
    %add3A_68 = arith.constant 448 : i32
    %add3A_69 = arith.addi %multiple_of3A, %add3A_68 : i32
    %multiple_of3A_70 = tpu.assume_multiple %add3A_69, 8 : i32
    %dma_start3A_71 = arith.constant 0 : i32
    %dma_start3A_72 = tpu.memref_slice %arg3[%multiple_of3A_70, %dma_start3A_71] : memref<50000x128xf32, #tpu.memory_space<hbm>> -> memref<224x128xf32, #tpu.memory_space<hbm>>
    %dma_start3A_73 = arith.constant 0 : i32
    %dma_start3A_74 = arith.constant 0 : i32
    %dma_start3A_75 = tpu.memref_slice %arg7[%arg1, %dma_start3A_73, %dma_start3A_74] : memref<16x224x128xf32, #tpu.memory_space<vmem_shared>> -> memref<1x224x128xf32, #tpu.memory_space<vmem_shared>>
    %dma_start3A_76 = tpu.memref_squeeze %dma_start3A_75 : memref<1x224x128xf32, #tpu.memory_space<vmem_shared>> -> memref<224x128xf32, #tpu.memory_space<vmem_shared>>
    tpu.enqueue_dma source(%dma_start3A_76 : memref<224x128xf32, #tpu.memory_space<vmem_shared>>) target(%dma_start3A_72 : memref<224x128xf32, #tpu.memory_space<hbm>>) target_semaphore(%arg15 : memref<!tpu.dma_semaphore, #tpu.memory_space<semaphore_mem>>)
    %dma_wait3A_77 = arith.constant 0 : i32
    %dma_wait3A_78 = tpu.memref_slice %arg3[%multiple_of3A_26, %dma_wait3A_77] : memref<50000x128xf32, #tpu.memory_space<hbm>> -> memref<224x128xf32, #tpu.memory_space<hbm>>
    %dma_wait3A_79 = arith.constant 0 : i32
    %dma_wait3A_80 = tpu.memref_slice %arg3[%multiple_of3A_26, %dma_wait3A_79] : memref<50000x128xf32, #tpu.memory_space<hbm>> -> memref<224x128xf32, #tpu.memory_space<hbm>>
    tpu.wait_dma2 semaphore(%arg9 : memref<!tpu.dma_semaphore, #tpu.memory_space<semaphore_mem>>) src(%arg4 : memref<224x128xf32, #tpu.memory_space<vmem>>) dst(%dma_wait3A_80 : memref<224x128xf32, #tpu.memory_space<hbm>>)
    %add3A_81 = arith.constant 0 : i32
    %add3A_82 = arith.addi %add3A_81, %multiple_of3A : i32
    %add3A_83 = arith.constant 896 : i32
    %add3A_84 = arith.addi %add3A_82, %add3A_83 : i32
    %multiple_of3A_85 = tpu.assume_multiple %add3A_84, 8 : i32
    %dma_start3A_86 = arith.constant 0 : i32
    %dma_start3A_87 = tpu.memref_slice %arg2[%multiple_of3A_85, %dma_start3A_86] : memref<100000x128xf32, #tpu.memory_space<hbm>> -> memref<224x128xf32, #tpu.memory_space<hbm>>
    %dma_start3A_88 = arith.constant 0 : i32
    %dma_start3A_89 = tpu.memref_slice %arg2[%multiple_of3A_85, %dma_start3A_88] : memref<100000x128xf32, #tpu.memory_space<hbm>> -> memref<224x128xf32, #tpu.memory_space<hbm>>
    tpu.enqueue_dma source(%dma_start3A_89 : memref<224x128xf32, #tpu.memory_space<hbm>>) target(%arg4 : memref<224x128xf32, #tpu.memory_space<vmem>>) target_semaphore(%arg8 : memref<!tpu.dma_semaphore, #tpu.memory_space<semaphore_mem>>)
    %dma_wait3A_90 = arith.constant 0 : i32
    %dma_wait3A_91 = tpu.memref_slice %arg2[%multiple_of3A_57, %dma_wait3A_90] : memref<100000x128xf32, #tpu.memory_space<hbm>> -> memref<224x128xf32, #tpu.memory_space<hbm>>
    %dma_wait3A_92 = arith.constant 0 : i32
    %dma_wait3A_93 = tpu.memref_slice %arg2[%multiple_of3A_57, %dma_wait3A_92] : memref<100000x128xf32, #tpu.memory_space<hbm>> -> memref<224x128xf32, #tpu.memory_space<hbm>>
    tpu.wait_dma2 semaphore(%arg12 : memref<!tpu.dma_semaphore, #tpu.memory_space<semaphore_mem>>) src(%dma_wait3A_93 : memref<224x128xf32, #tpu.memory_space<hbm>>) dst(%arg6 : memref<224x128xf32, #tpu.memory_space<vmem>>)
    %add3A_94 = arith.constant 672 : i32
    %add3A_95 = arith.addi %multiple_of3A, %add3A_94 : i32
    %multiple_of3A_96 = tpu.assume_multiple %add3A_95, 8 : i32
    %dma_start3A_97 = arith.constant 0 : i32
    %dma_start3A_98 = tpu.memref_slice %arg3[%multiple_of3A_96, %dma_start3A_97] : memref<50000x128xf32, #tpu.memory_space<hbm>> -> memref<224x128xf32, #tpu.memory_space<hbm>>
    %dma_start3A_99 = arith.constant 0 : i32
    %dma_start3A_100 = tpu.memref_slice %arg3[%multiple_of3A_96, %dma_start3A_99] : memref<50000x128xf32, #tpu.memory_space<hbm>> -> memref<224x128xf32, #tpu.memory_space<hbm>>
    tpu.enqueue_dma source(%arg6 : memref<224x128xf32, #tpu.memory_space<vmem>>) target(%dma_start3A_100 : memref<224x128xf32, #tpu.memory_space<hbm>>) target_semaphore(%arg13 : memref<!tpu.dma_semaphore, #tpu.memory_space<semaphore_mem>>)
    %dma_wait3A_101 = arith.constant 0 : i32
    %dma_wait3A_102 = tpu.memref_slice %arg3[%multiple_of3A_70, %dma_wait3A_101] : memref<50000x128xf32, #tpu.memory_space<hbm>> -> memref<224x128xf32, #tpu.memory_space<hbm>>
    %dma_wait3A_103 = arith.constant 0 : i32
    %dma_wait3A_104 = arith.constant 0 : i32
    %dma_wait3A_105 = tpu.memref_slice %arg7[%arg1, %dma_wait3A_103, %dma_wait3A_104] : memref<16x224x128xf32, #tpu.memory_space<vmem_shared>> -> memref<1x224x128xf32, #tpu.memory_space<vmem_shared>>
    %dma_wait3A_106 = tpu.memref_squeeze %dma_wait3A_105 : memref<1x224x128xf32, #tpu.memory_space<vmem_shared>> -> memref<224x128xf32, #tpu.memory_space<vmem_shared>>
    tpu.wait_dma2 semaphore(%arg15 : memref<!tpu.dma_semaphore, #tpu.memory_space<semaphore_mem>>) src(%dma_wait3A_106 : memref<224x128xf32, #tpu.memory_space<vmem_shared>>) dst(%dma_wait3A_102 : memref<224x128xf32, #tpu.memory_space<hbm>>)
    %add3A_107 = arith.constant 0 : i32
    %add3A_108 = arith.addi %add3A_107, %multiple_of3A : i32
    %add3A_109 = arith.constant 1120 : i32
    %add3A_110 = arith.addi %add3A_108, %add3A_109 : i32
    %multiple_of3A_111 = tpu.assume_multiple %add3A_110, 8 : i32
    %dma_start3A_112 = arith.constant 0 : i32
    %dma_start3A_113 = arith.constant 0 : i32
    %dma_start3A_114 = tpu.memref_slice %arg7[%arg1, %dma_start3A_112, %dma_start3A_113] : memref<16x224x128xf32, #tpu.memory_space<vmem_shared>> -> memref<1x224x128xf32, #tpu.memory_space<vmem_shared>>
    %dma_start3A_115 = tpu.memref_squeeze %dma_start3A_114 : memref<1x224x128xf32, #tpu.memory_space<vmem_shared>> -> memref<224x128xf32, #tpu.memory_space<vmem_shared>>
    %dma_start3A_116 = arith.constant 0 : i32
    %dma_start3A_117 = tpu.memref_slice %arg2[%multiple_of3A_111, %dma_start3A_116] : memref<100000x128xf32, #tpu.memory_space<hbm>> -> memref<224x128xf32, #tpu.memory_space<hbm>>
    tpu.enqueue_dma source(%dma_start3A_117 : memref<224x128xf32, #tpu.memory_space<hbm>>) target(%dma_start3A_115 : memref<224x128xf32, #tpu.memory_space<vmem_shared>>) target_semaphore(%arg14 : memref<!tpu.dma_semaphore, #tpu.memory_space<semaphore_mem>>)
    %dma_wait3A_118 = arith.constant 0 : i32
    %dma_wait3A_119 = tpu.memref_slice %arg2[%multiple_of3A_85, %dma_wait3A_118] : memref<100000x128xf32, #tpu.memory_space<hbm>> -> memref<224x128xf32, #tpu.memory_space<hbm>>
    %dma_wait3A_120 = arith.constant 0 : i32
    %dma_wait3A_121 = tpu.memref_slice %arg2[%multiple_of3A_85, %dma_wait3A_120] : memref<100000x128xf32, #tpu.memory_space<hbm>> -> memref<224x128xf32, #tpu.memory_space<hbm>>
    tpu.wait_dma2 semaphore(%arg8 : memref<!tpu.dma_semaphore, #tpu.memory_space<semaphore_mem>>) src(%dma_wait3A_121 : memref<224x128xf32, #tpu.memory_space<hbm>>) dst(%arg4 : memref<224x128xf32, #tpu.memory_space<vmem>>)
    %add3A_122 = arith.constant 896 : i32
    %add3A_123 = arith.addi %multiple_of3A, %add3A_122 : i32
    %multiple_of3A_124 = tpu.assume_multiple %add3A_123, 8 : i32
    %dma_start3A_125 = arith.constant 0 : i32
    %dma_start3A_126 = tpu.memref_slice %arg3[%multiple_of3A_124, %dma_start3A_125] : memref<50000x128xf32, #tpu.memory_space<hbm>> -> memref<224x128xf32, #tpu.memory_space<hbm>>
    %dma_start3A_127 = arith.constant 0 : i32
    %dma_start3A_128 = tpu.memref_slice %arg3[%multiple_of3A_124, %dma_start3A_127] : memref<50000x128xf32, #tpu.memory_space<hbm>> -> memref<224x128xf32, #tpu.memory_space<hbm>>
    tpu.enqueue_dma source(%arg4 : memref<224x128xf32, #tpu.memory_space<vmem>>) target(%dma_start3A_128 : memref<224x128xf32, #tpu.memory_space<hbm>>) target_semaphore(%arg9 : memref<!tpu.dma_semaphore, #tpu.memory_space<semaphore_mem>>)
    %dma_wait3A_129 = arith.constant 0 : i32
    %dma_wait3A_130 = tpu.memref_slice %arg3[%multiple_of3A_48, %dma_wait3A_129] : memref<50000x128xf32, #tpu.memory_space<hbm>> -> memref<224x128xf32, #tpu.memory_space<hbm>>
    %dma_wait3A_131 = arith.constant 0 : i32
    %dma_wait3A_132 = tpu.memref_slice %arg3[%multiple_of3A_48, %dma_wait3A_131] : memref<50000x128xf32, #tpu.memory_space<hbm>> -> memref<224x128xf32, #tpu.memory_space<hbm>>
    tpu.wait_dma2 semaphore(%arg11 : memref<!tpu.dma_semaphore, #tpu.memory_space<semaphore_mem>>) src(%arg5 : memref<224x128xf32, #tpu.memory_space<vmem>>) dst(%dma_wait3A_132 : memref<224x128xf32, #tpu.memory_space<hbm>>)
    %add3A_133 = arith.constant 0 : i32
    %add3A_134 = arith.addi %add3A_133, %multiple_of3A : i32
    %add3A_135 = arith.constant 1344 : i32
    %add3A_136 = arith.addi %add3A_134, %add3A_135 : i32
    %multiple_of3A_137 = tpu.assume_multiple %add3A_136, 8 : i32
    %dma_start3A_138 = arith.constant 0 : i32
    %dma_start3A_139 = tpu.memref_slice %arg2[%multiple_of3A_137, %dma_start3A_138] : memref<100000x128xf32, #tpu.memory_space<hbm>> -> memref<224x128xf32, #tpu.memory_space<hbm>>
    %dma_start3A_140 = arith.constant 0 : i32
    %dma_start3A_141 = tpu.memref_slice %arg2[%multiple_of3A_137, %dma_start3A_140] : memref<100000x128xf32, #tpu.memory_space<hbm>> -> memref<224x128xf32, #tpu.memory_space<hbm>>
    tpu.enqueue_dma source(%dma_start3A_141 : memref<224x128xf32, #tpu.memory_space<hbm>>) target(%arg5 : memref<224x128xf32, #tpu.memory_space<vmem>>) target_semaphore(%arg10 : memref<!tpu.dma_semaphore, #tpu.memory_space<semaphore_mem>>)
    %dma_wait3A_142 = arith.constant 0 : i32
    %dma_wait3A_143 = arith.constant 0 : i32
    %dma_wait3A_144 = tpu.memref_slice %arg7[%arg1, %dma_wait3A_142, %dma_wait3A_143] : memref<16x224x128xf32, #tpu.memory_space<vmem_shared>> -> memref<1x224x128xf32, #tpu.memory_space<vmem_shared>>
    %dma_wait3A_145 = tpu.memref_squeeze %dma_wait3A_144 : memref<1x224x128xf32, #tpu.memory_space<vmem_shared>> -> memref<224x128xf32, #tpu.memory_space<vmem_shared>>
    %dma_wait3A_146 = arith.constant 0 : i32
    %dma_wait3A_147 = tpu.memref_slice %arg2[%multiple_of3A_111, %dma_wait3A_146] : memref<100000x128xf32, #tpu.memory_space<hbm>> -> memref<224x128xf32, #tpu.memory_space<hbm>>
    tpu.wait_dma2 semaphore(%arg14 : memref<!tpu.dma_semaphore, #tpu.memory_space<semaphore_mem>>) src(%dma_wait3A_147 : memref<224x128xf32, #tpu.memory_space<hbm>>) dst(%dma_wait3A_145 : memref<224x128xf32, #tpu.memory_space<vmem_shared>>)
    %add3A_148 = arith.constant 1120 : i32
    %add3A_149 = arith.addi %multiple_of3A, %add3A_148 : i32
    %multiple_of3A_150 = tpu.assume_multiple %add3A_149, 8 : i32
    %dma_start3A_151 = arith.constant 0 : i32
    %dma_start3A_152 = tpu.memref_slice %arg3[%multiple_of3A_150, %dma_start3A_151] : memref<50000x128xf32, #tpu.memory_space<hbm>> -> memref<224x128xf32, #tpu.memory_space<hbm>>
    %dma_start3A_153 = arith.constant 0 : i32
    %dma_start3A_154 = arith.constant 0 : i32
    %dma_start3A_155 = tpu.memref_slice %arg7[%arg1, %dma_start3A_153, %dma_start3A_154] : memref<16x224x128xf32, #tpu.memory_space<vmem_shared>> -> memref<1x224x128xf32, #tpu.memory_space<vmem_shared>>
    %dma_start3A_156 = tpu.memref_squeeze %dma_start3A_155 : memref<1x224x128xf32, #tpu.memory_space<vmem_shared>> -> memref<224x128xf32, #tpu.memory_space<vmem_shared>>
    tpu.enqueue_dma source(%dma_start3A_156 : memref<224x128xf32, #tpu.memory_space<vmem_shared>>) target(%dma_start3A_152 : memref<224x128xf32, #tpu.memory_space<hbm>>) target_semaphore(%arg15 : memref<!tpu.dma_semaphore, #tpu.memory_space<semaphore_mem>>)
    %dma_wait3A_157 = arith.constant 0 : i32
    %dma_wait3A_158 = tpu.memref_slice %arg2[%multiple_of3A_137, %dma_wait3A_157] : memref<100000x128xf32, #tpu.memory_space<hbm>> -> memref<224x128xf32, #tpu.memory_space<hbm>>
    %dma_wait3A_159 = arith.constant 0 : i32
    %dma_wait3A_160 = tpu.memref_slice %arg2[%multiple_of3A_137, %dma_wait3A_159] : memref<100000x128xf32, #tpu.memory_space<hbm>> -> memref<224x128xf32, #tpu.memory_space<hbm>>
    tpu.wait_dma2 semaphore(%arg10 : memref<!tpu.dma_semaphore, #tpu.memory_space<semaphore_mem>>) src(%dma_wait3A_160 : memref<224x128xf32, #tpu.memory_space<hbm>>) dst(%arg5 : memref<224x128xf32, #tpu.memory_space<vmem>>)
    %add3A_161 = arith.constant 1344 : i32
    %add3A_162 = arith.addi %multiple_of3A, %add3A_161 : i32
    %multiple_of3A_163 = tpu.assume_multiple %add3A_162, 8 : i32
    %dma_start3A_164 = arith.constant 0 : i32
    %dma_start3A_165 = tpu.memref_slice %arg3[%multiple_of3A_163, %dma_start3A_164] : memref<50000x128xf32, #tpu.memory_space<hbm>> -> memref<224x128xf32, #tpu.memory_space<hbm>>
    %dma_start3A_166 = arith.constant 0 : i32
    %dma_start3A_167 = tpu.memref_slice %arg3[%multiple_of3A_163, %dma_start3A_166] : memref<50000x128xf32, #tpu.memory_space<hbm>> -> memref<224x128xf32, #tpu.memory_space<hbm>>
    tpu.enqueue_dma source(%arg5 : memref<224x128xf32, #tpu.memory_space<vmem>>) target(%dma_start3A_167 : memref<224x128xf32, #tpu.memory_space<hbm>>) target_semaphore(%arg11 : memref<!tpu.dma_semaphore, #tpu.memory_space<semaphore_mem>>)
    %dma_wait3A_168 = arith.constant 0 : i32
    %dma_wait3A_169 = tpu.memref_slice %arg3[%multiple_of3A_96, %dma_wait3A_168] : memref<50000x128xf32, #tpu.memory_space<hbm>> -> memref<224x128xf32, #tpu.memory_space<hbm>>
    %dma_wait3A_170 = arith.constant 0 : i32
    %dma_wait3A_171 = tpu.memref_slice %arg3[%multiple_of3A_96, %dma_wait3A_170] : memref<50000x128xf32, #tpu.memory_space<hbm>> -> memref<224x128xf32, #tpu.memory_space<hbm>>
    tpu.wait_dma2 semaphore(%arg13 : memref<!tpu.dma_semaphore, #tpu.memory_space<semaphore_mem>>) src(%arg6 : memref<224x128xf32, #tpu.memory_space<vmem>>) dst(%dma_wait3A_171 : memref<224x128xf32, #tpu.memory_space<hbm>>)
    %dma_wait3A_172 = arith.constant 0 : i32
    %dma_wait3A_173 = tpu.memref_slice %arg3[%multiple_of3A_124, %dma_wait3A_172] : memref<50000x128xf32, #tpu.memory_space<hbm>> -> memref<224x128xf32, #tpu.memory_space<hbm>>
    %dma_wait3A_174 = arith.constant 0 : i32
    %dma_wait3A_175 = tpu.memref_slice %arg3[%multiple_of3A_124, %dma_wait3A_174] : memref<50000x128xf32, #tpu.memory_space<hbm>> -> memref<224x128xf32, #tpu.memory_space<hbm>>
    tpu.wait_dma2 semaphore(%arg9 : memref<!tpu.dma_semaphore, #tpu.memory_space<semaphore_mem>>) src(%arg4 : memref<224x128xf32, #tpu.memory_space<vmem>>) dst(%dma_wait3A_175 : memref<224x128xf32, #tpu.memory_space<hbm>>)
    %dma_wait3A_176 = arith.constant 0 : i32
    %dma_wait3A_177 = tpu.memref_slice %arg3[%multiple_of3A_150, %dma_wait3A_176] : memref<50000x128xf32, #tpu.memory_space<hbm>> -> memref<224x128xf32, #tpu.memory_space<hbm>>
    %dma_wait3A_178 = arith.constant 0 : i32
    %dma_wait3A_179 = arith.constant 0 : i32
    %dma_wait3A_180 = tpu.memref_slice %arg7[%arg1, %dma_wait3A_178, %dma_wait3A_179] : memref<16x224x128xf32, #tpu.memory_space<vmem_shared>> -> memref<1x224x128xf32, #tpu.memory_space<vmem_shared>>
    %dma_wait3A_181 = tpu.memref_squeeze %dma_wait3A_180 : memref<1x224x128xf32, #tpu.memory_space<vmem_shared>> -> memref<224x128xf32, #tpu.memory_space<vmem_shared>>
    tpu.wait_dma2 semaphore(%arg15 : memref<!tpu.dma_semaphore, #tpu.memory_space<semaphore_mem>>) src(%dma_wait3A_181 : memref<224x128xf32, #tpu.memory_space<vmem_shared>>) dst(%dma_wait3A_177 : memref<224x128xf32, #tpu.memory_space<hbm>>)
    %dma_wait3A_182 = arith.constant 0 : i32
    %dma_wait3A_183 = tpu.memref_slice %arg3[%multiple_of3A_163, %dma_wait3A_182] : memref<50000x128xf32, #tpu.memory_space<hbm>> -> memref<224x128xf32, #tpu.memory_space<hbm>>
    %dma_wait3A_184 = arith.constant 0 : i32
    %dma_wait3A_185 = tpu.memref_slice %arg3[%multiple_of3A_163, %dma_wait3A_184] : memref<50000x128xf32, #tpu.memory_space<hbm>> -> memref<224x128xf32, #tpu.memory_space<hbm>>
    tpu.wait_dma2 semaphore(%arg11 : memref<!tpu.dma_semaphore, #tpu.memory_space<semaphore_mem>>) src(%arg5 : memref<224x128xf32, #tpu.memory_space<vmem>>) dst(%dma_wait3A_185 : memref<224x128xf32, #tpu.memory_space<hbm>>)
    return
  }
}

</mosaic_0001>

<sc_bundles>
// kernel: sc_slice_copy_0.3.cloned.1.call-start
scs
__scs_entry_jumppad:
0x0: {  	(pc) =	sbr.rel $0x88, $3  }
0x1: {  	(tag) =	ssettag $0x0;
	lr =	simm.s32 $0x1  }
0x2: {  	[smem:$0x3F9F] =	sst lr;
	_ =	strace $0xD0000000  }
0x3: {  	_ = 	snop  }
0x4: {  	_ = 	snop  }
0x5: {  	_ = 	snop  }
0x6: {  	_ = 	snop  }
0x7: {  	_ = 	snop  }
__scs_overlays_trampoline_lowered:
0x8: {  	[smem:$0x3FAE] =	sst s0  }
0x9: {  	[smem:$0x3FAF] =	sst s1  }
0xa: {  	[smem:$0x3FB0] =	sst s2  }
0xb: {  	[smem:$0x3FB1] =	sst s3  }
0xc: {  	[smem:$0x3FB2] =	sst s4  }
0xd: {  	[smem:$0x3FB3] =	sst s5  }
0xe: {  	[smem:$0x3FB4] =	sst s6  }
0xf: {  	[smem:$0x3FB5] =	sst s7  }
0x10: {  	[smem:$0x3FB6] =	sst s8  }
0x11: {  	[smem:$0x3FB7] =	sst s9;
	s0 =	simm.s32 @!p0 $0x0  }
0x12: {  	s1 =	sld [smem:$0x3F9D];
	s0 =	simm.s32 @p0 $0x1  }
0x13: {  	[smem:$0x3FB8] =	sst s0;
	s0 =	simm.s32 @!p1 $0x0  }
0x14: {  	s2 =	sld [smem:$0x3F9C];
	s0 =	simm.s32 @p1 $0x1  }
0x15: {  	[smem:$0x3FB9] =	sst s0;
	s0 =	simm.s32 @!p2 $0x0  }
0x16: {  	s3 =	sld [smem:$0x3FDB];
	s0 =	simm.s32 @p2 $0x1  }
0x17: {  	s4 =	simm.s32 $0x1BF5;
	[smem:$0x3FBB] =	sst s0  }
0x18: {  	s0 =	sld [smem:$0x3F9E];
	_ =	swait.ge [sflag:s4], $0x0  }
0x19: {  	s7 =	sld [smem:$0x3F9F]  }
0x1a: {  	s8 =	sadd.s32 $0xFFFFE003, lr  }
0x1b: {  	s9 =	sadd.s32 $0xFFFFFEF7, lr;
	s5 =	simm.s32 $0xFFFFFFFF;
	p2 =	slt.u32 s8, $0xFFFFF086  }
0x1c: {  	p1 =	slt.u32 s9, $0xF7A;
	s5 =	simm.s32 @!p2 $0x0  }
0x1d: {  	s5 =	simm.s32 @p1 $0x1;
	p0 =	seq.s32 s7, s2  }
0x1e: {  	s7 =	smul.u32 @!p0 $0xF7A, s2;
	p2 =	seq.s32 @!p0 s5, $0x0  }
0x1f: {  	s9 =	smul.u32 $0xF7A, s1;
	s8 =	simm.s32 @!p0 $0x1BF5;
	p2 =	por !p2, p0  }
0x20: {  	[sflag:s8] =	ssyncset.s32 @!p0 $0xFFFFF086;
	s6 =	sadd.s32 @!p0 s3, s7;
	s7 =	simm.s32 @!p0 $0x108  }
0x21: {  	s3 =	sadd.s32 s3, s9;
	s6 =	sadd.s32 @!p0 $0x88, s6;
	s7 =	simm.s32 @p2 $0x1082  }
0x22: {  	[simem:s7], [sflag:s8] =	dma.local @!p0 [hbm:s6], $0xF7A  }
0x23: {  	s9 =	sor.u32 $0xD0000000, s2;
	s6 =	simm.s32 $0x108;
	_ =	swait.ge @!p0 [sflag:s8], $0x0  }
0x24: {  	s3 =	sadd.s32 $0x88, s3;
	s6 =	simm.s32 @!p1 $0x1082;
	[sflag:s4] =	ssyncset.s32 $0xFFFFF086  }
0x25: {  	[simem:s6], [sflag:s4] =	dma.local [hbm:s3], $0xF7A  }
0x26: {  	[smem:$0x3F9F] =	sst s1;
	(tag) =	ssettag s2;
	_ =	strace s9  }
0x27: {  	s1 =	sld [smem:$0x3FAF]  }
0x28: {  	s2 =	sld [smem:$0x3FB0]  }
0x29: {  	s4 =	sld [smem:$0x3FB2]  }
0x2a: {  	p0 =	seq.s32 s5, $0x0;
	s5 =	sld [smem:$0x3FB3]  }
0x2b: {  	s6 =	sld [smem:$0x3FB4]  }
0x2c: {  	s7 =	sld [smem:$0x3FB5]  }
0x2d: {  	s3 =	simm.s32 $0x108;
	s8 =	sld [smem:$0x3FB6]  }
0x2e: {  	s3 =	simm.s32 @!p0 $0x1082;
	s9 =	sld [smem:$0x3FB7]  }
0x2f: {  	lr =	sadd.s32 s0, s3;
	s0 =	sld [smem:$0x3FAE]  }
0x30: {  	s3 =	sld [smem:$0x3FB1]  }
0x31: {  	[smem:$0x3FBA] =	sst s10  }
0x32: {  	s10 =	sld [smem:$0x3FB8];
	_ =	sdelay $0x3  }
0x33: {  	p0 =	seq.s32 s10, $0x1;
	s10 =	sld [smem:$0x3FBA];
	_ =	sdelay $0x3  }
0x34: {  	[smem:$0x3FBA] =	sst s10  }
0x35: {  	s10 =	sld [smem:$0x3FB9];
	_ =	sdelay $0x3  }
0x36: {  	p1 =	seq.s32 s10, $0x1;
	s10 =	sld [smem:$0x3FBA];
	_ =	sdelay $0x3  }
0x37: {  	[smem:$0x3FBA] =	sst s10  }
0x38: {  	s10 =	sld [smem:$0x3FBB]  }
0x39: {  	_ = 	snop;
	(pc) =	sbr.ind lr, $3  }
0x3a: {  	_ = 	snop  }
0x3b: {  	_ = 	snop  }
0x3c: {  	p2 =	seq.s32 s10, $0x1;
	s10 =	sld [smem:$0x3FBA]  }
0x3d: {  	_ =	shalt  }
0x3e: {  	_ =	shalt  }
0x3f: {  	_ =	shalt  }
0x40: {  	_ =	shalt  }
0x41: {  	_ =	shalt  }
0x42: {  	_ =	shalt  }
0x43: {  	_ =	shalt  }
0x44: {  	_ =	shalt  }
0x45: {  	_ =	shalt  }
0x46: {  	_ =	shalt  }
0x47: {  	_ =	shalt  }
0x48: {  	_ =	shalt  }
0x49: {  	_ =	shalt  }
0x4a: {  	_ =	shalt  }
0x4b: {  	_ =	shalt  }
0x4c: {  	_ =	shalt  }
0x4d: {  	_ =	shalt  }
0x4e: {  	_ =	shalt  }
0x4f: {  	_ =	shalt  }
0x50: {  	_ =	shalt  }
0x51: {  	_ =	shalt  }
0x52: {  	_ =	shalt  }
0x53: {  	_ =	shalt  }
0x54: {  	_ =	shalt  }
0x55: {  	_ =	shalt  }
0x56: {  	_ =	shalt  }
0x57: {  	_ =	shalt  }
0x58: {  	_ =	shalt  }
0x59: {  	_ =	shalt  }
0x5a: {  	_ =	shalt  }
0x5b: {  	_ =	shalt  }
0x5c: {  	_ =	shalt  }
0x5d: {  	_ =	shalt  }
0x5e: {  	_ =	shalt  }
0x5f: {  	_ =	shalt  }
0x60: {  	_ =	shalt  }
0x61: {  	_ =	shalt  }
0x62: {  	_ =	shalt  }
0x63: {  	_ =	shalt  }
0x64: {  	_ =	shalt  }
0x65: {  	_ =	shalt  }
0x66: {  	_ =	shalt  }
0x67: {  	_ =	shalt  }
0x68: {  	_ =	shalt  }
0x69: {  	_ =	shalt  }
0x6a: {  	_ =	shalt  }
0x6b: {  	_ =	shalt  }
0x6c: {  	_ =	shalt  }
0x6d: {  	_ =	shalt  }
0x6e: {  	_ =	shalt  }
0x6f: {  	_ =	shalt  }
0x70: {  	_ =	shalt  }
0x71: {  	_ =	shalt  }
0x72: {  	_ =	shalt  }
0x73: {  	_ =	shalt  }
0x74: {  	_ =	shalt  }
0x75: {  	_ =	shalt  }
0x76: {  	_ =	shalt  }
0x77: {  	_ =	shalt  }
0x78: {  	_ =	shalt  }
0x79: {  	_ =	shalt  }
0x7a: {  	_ =	shalt  }
0x7b: {  	_ =	shalt  }
0x7c: {  	_ =	shalt  }
0x7d: {  	_ =	shalt  }
0x7e: {  	_ =	shalt  }
0x7f: {  	_ =	shalt  }
0x80: {  	_ =	shalt  }
0x81: {  	_ =	shalt  }
0x82: {  	_ =	shalt  }
0x83: {  	_ =	shalt  }
0x84: {  	_ =	shalt  }
0x85: {  	_ =	shalt  }
0x86: {  	_ =	shalt  }
0x87: {  	_ =	shalt  }
.Lfunc_end0:
.L_simem_size_0:
called_computation_lowered:
.L_overlay_start_0:
0x88: {  	s2 =	sld [smem:$0x3FD9]  }
0x89: {  	s3 =	sld [smem:$0x3FFE];
	_ =	sdelay $0x1  }
0x8a: {  	s1 =	srdreg.scid  }
0x8b: {  	s0 =	sand.u32 $0x1, s1  }
0x8c: {  	s18 =	sshll.u32 s0, $0xA;
	s2 =	sadd.s32 s3, s2  }
0x8d: {  	s2 =	sadd.s32 s2, s18  }
0x8e: {  	[smem:$0x3FC6] =	sst s2  }
0x8f: {  	_ = 	snop  }
0x90: {  	s2 =	sld [smem:$0x3FC8]  }
0x91: {  	s19 =	sld [smem:$0x3FD0];
	(tm) =	ssettm $0x1  }
0x92: {  	s4 =	sld [smem:$0x3FFB];
	_ =	sdelay $0x3  }
0x93: {  	_ =	strace s4  }
0x94: {  	s4 =	sld [smem:$0x3FFC];
	_ =	sdelay $0x3  }
0x95: {  	_ =	strace s4  }
0x96: {  	s4 =	sld [smem:$0x3FFD];
	_ =	sdelay $0x3  }
0x97: {  	_ =	strace s4  }
0x98: {  	_ =	strace $0x8FFFFFFF  }
0x99: {  	s20 =	sld [smem:$0x3FDB];
	_ =	sdelay $0x1  }
0x9a: {  	s5 =	simm.s32 $_scs_section_size  }
0x9b: {  	s6 =	simm.s32 $_size__tile_overlayer_lowered;
	s7 =	simm.s32 $_tile_overlayer_lowered  }
0x9c: {  	s23 =	simm.s32 $0x1BFF;
	s22 =	sshll.u32 s7, $0x1;
	s4 =	sadd.s32 s5, s20  }
0x9d: {  	s8 =	simm.s32 $0x0;
	s21 =	sshll.u32 s6, $0x1;
	s6 =	sadd.s32 s22, s4  }
0x9e: {  	[timem:s8], [sflag:s23] =	dma.local [hbm:s6], s21  }
0x9f: {  	_ =	swait.ge [sflag:s23], s21  }
0xa0: {  	s5 =	ssub.s32 $0x0, s21;
	[sflag:s23] =	ssyncset.done $0x0  }
0xa1: {  	[sflag:s23] =	ssyncadd.s32 s5;
	_ =	sdelay $0x1  }
0xa2: {  	s24 =	simm.s32 $0x1B8B  }
0xa3: {  	_ =	swait.ge [sflag:s24], $0x1  }
0xa4: {  	[sflag:s24] =	ssyncset.done $0x0  }
0xa5: {  	s25 =	simm.s32 $0x1B8E;
	[sflag:s24] =	ssyncadd.s32 $0xFFFFFFFF  }
0xa6: {  	s26 =	simm.s32 $execute0_lowered;
	[smem:$0x3FD2] =	sst s25  }
0xa7: {  	s5 =	sshll.u32 s26, $0x1;
	_ =	strace $0x80000046;
	[dreg:$0x1] =	wrdreg $0xFFFFFFFF  }
0xa8: {  	s28 =	simm.s32 $_size_execute0_lowered;
	s4 =	sadd.s32 s4, s5;
	[dreg:$0x0] =	wrdreg $0x0  }
0xa9: {  	s5 =	sshll.u32 s28, $0x1;
	[dreg:$0x2] =	wrdreg s4  }
0xaa: {  	[dreg:$0x3] =	wrdreg s5  }
0xab: {  	[dreg:$0x4] =	wrdreg $0xC0  }
0xac: {  	_ =	task [dreg:s8], $0x5FFFF  }
0xad: {  	[dreg:$0x1] =	wrdreg $0xFFFFFFFF  }
0xae: {  	[dreg:$0x0] =	wrdreg $0x60  }
0xaf: {  	[dreg:$0x2] =	wrdreg s2  }
0xb0: {  	[dreg:$0x3] =	wrdreg s19  }
0xb1: {  	[dreg:$0x4] =	wrdreg $0x150000  }
0xb2: {  	[dreg:$0x5] =	wrdreg $0x9  }
0xb3: {  	_ =	task.clear_ibuf [dreg:s8], $0x6FFFF;
	_ =	strace $0x90000046  }
0xb4: {  	s29 =	simm.s32 $0x9;
	_ =	strace $0x80000048  }
0xb5: {  	_ =	swait.ge [sflag:s29], $0x1  }
0xb6: {  	[sflag:s29] =	ssyncadd.s32 $0xFFFFFFFF  }
0xb7: {  	_ =	strace $0x90000048  }
0xb8: {  	_ =	sfence  }
0xb9: {  	s30 =	sld [smem:$0x0];
	_ =	sdelay $0x2  }
0xba: {  	s31 =	sshll.u32 s1, $0xD;
	s1 =	sshrl.u32 s1, $0x2  }
0xbb: {  	s3 =	sand.u32 $0x4000, s31;
	s1 =	sadd.s32 s1, s30  }
0xbc: {  	s0 =	sor.u32 s3, s0;
	s1 =	sshll.u32 s1, $0x11  }
0xbd: {  	s0 =	sor.u32 s1, s0  }
0xbe: {  	s0 =	sadd.s32 $0x8F2B, s0  }
0xbf: {  	[sflag:s0] =	ssyncadd.remote.s32 $0x1  }
0xc0: {  	_ =	sfence.sel $0xFFFF  }
0xc1: {  	[dreg:$0x0] =	wrdreg $0xFFFFFFFF;
	(pc) =	sbr.abs _section_cstart, $3  }
0xc2: {  	[dreg:$0x1] =	wrdreg $0xFFFFFFFF  }
0xc3: {  	_ =	task.clear_ibuf [dreg:s8], $0x2FFFF;
	_ =	strace $0x9FFFFFFF  }
0xc4: {  	(tm) =	ssettm $0x7FFFFFFF  }
0xc5: {  	_ =	shalt  }
tec
execute0_lowered:
.L_overlay_start_1:
0x0: {  	(tag) =	ssettag $0x1  }
0x1: {  	s1 =	srdreg.scid;
	s0 =	stileid.u32  }
0x2: {  	s30 =	sand.u32 $0x1, s1;
	s31 =	sshll.u32 s0, $0x1  }
0x3: {  	s1 =	sor.u32 s30, s31  }
0x4: {  	s25 =	rddreg [dreg:$0x0];
	s3 =	smul.u32 $0x620, s1  }
0x5: {  	s28 =	rddreg [dreg:$0x1]  }
0x6: {  	s7 =	rddreg [dreg:$0x2];
	s2 =	simm.s32 $0x0;
	s3 =	smin.u32 s3, $0xBD30  }
0x7: {  	s9 =	simm.s32 $0x3;
	[smem:$0x7FF] =	sst s2;
	s26 =	sshll.u32 s3, $0x4  }
0x8: {  	s5 =	smul.u32 $0x1C000, s0;
	s1 =	rddreg [dreg:$0x3];
	s3 =	sadd.s32 s25, s26  }
0x9: {  	s17 =	sshll.u32 s0, $0x6;
	_ =	strace $0x80000047;
	[dreg:$0x4] =	wrdreg s3  }
0xa: {  	s8 =	sshrl.u32 s5, $0x2;
	s11 =	sadd.s32 $0xE00, s26;
	s6 =	rddreg [dreg:$0x4]  }
0xb: {  	[tilespmem:s2], [sflag:$0x1] =	stream.linear.gather [hbm4b:s6+s2], $0x7000, $0x38;
	[tilespmem:$0x1C000] =	vst v63  }
0xc: {  	s5 =	simm.s32 $0x7000;
	s3 =	sadd.s32 s25, s11;
	s6 =	simm.s32 $0x1  }
0xd: {  	[tilespmem:s5], [sflag:$0x3] =	stream.linear.gather [hbm4b:s3+s2], $0x7000, $0x38;
	[tilespmem:$0x1C000] =	vst v63  }
0xe: {  	s10 =	sor.u32 $0x1C07, s17;
	s8 =	sadd.s32 s8, s7;
	_ =	swait.ge [sflag:s6], $0x7000  }
0xf: {  	s8 =	sshrl.u32 s8, $0x3;
	s15 =	sadd.s32 $0x1C00, s26;
	[sflag:s6] =	ssyncset.done $0x0  }
0x10: {  	s4 =	sadd.s32 s28, s26;
	s7 =	sadd.s32 s25, s15;
	[sflag:s6] =	ssyncadd.s32 $0xFFFF9000  }
0x11: {  	[hbm4b:s4+s2] =	stream.linear.scatter [tilespmem:s2], [sflag:$0x2], $0x7000, $0x38;
	[tilespmem:$0x1C000] =	vst v63  }
0x12: {  	[spmem:s8], [sflag:s10] =	dma.local [hbm:s7], $0xE00  }
0x13: {  	_ =	swait.ge [sflag:s9], $0x7000  }
0x14: {  	[sflag:s9] =	ssyncset.done $0x0  }
0x15: {  	s20 =	sadd.s32 $0x2A00, s26;
	s11 =	sadd.s32 s28, s11;
	[sflag:s9] =	ssyncadd.s32 $0xFFFF9000  }
0x16: {  	[hbm4b:s11+s2] =	stream.linear.scatter [tilespmem:s5], [sflag:$0x4], $0x7000, $0x38;
	[tilespmem:$0x1C000] =	vst v63  }
0x17: {  	s13 =	simm.s32 $0xE000;
	s14 =	simm.s32 $0x7;
	s12 =	sadd.s32 s25, s20  }
0x18: {  	[tilespmem:s13], [sflag:$0x5] =	stream.linear.gather [hbm4b:s12+s2], $0x7000, $0x38;
	[tilespmem:$0x1C000] =	vst v63  }
0x19: {  	_ =	swait.ge [sflag:s14], $0xE00  }
0x1a: {  	s16 =	simm.s32 $0x2;
	[sflag:s14] =	ssyncset.done $0x0  }
0x1b: {  	s17 =	sor.u32 $0x1C08, s17;
	s15 =	sadd.s32 s28, s15;
	[sflag:s14] =	ssyncadd.s32 $0xFFFFF200  }
0x1c: {  	[hbm:s15], [sflag:s17] =	dma.local [spmem:s8], $0xE00  }
0x1d: {  	_ =	swait.ge [sflag:s16], $0x7000  }
0x1e: {  	s23 =	sadd.s32 $0x3800, s26;
	[sflag:s16] =	ssyncset.done $0x0  }
0x1f: {  	s19 =	simm.s32 $0x5;
	s18 =	sadd.s32 s25, s23;
	[sflag:s16] =	ssyncadd.s32 $0xFFFF9000  }
0x20: {  	[tilespmem:s2], [sflag:$0x1] =	stream.linear.gather [hbm4b:s18+s2], $0x7000, $0x38;
	[tilespmem:$0x1C000] =	vst v63  }
0x21: {  	_ =	swait.ge [sflag:s19], $0x7000  }
0x22: {  	[sflag:s19] =	ssyncset.done $0x0  }
0x23: {  	s21 =	simm.s32 $0x8;
	s20 =	sadd.s32 s28, s20;
	[sflag:s19] =	ssyncadd.s32 $0xFFFF9000  }
0x24: {  	[hbm4b:s20+s2] =	stream.linear.scatter [tilespmem:s13], [sflag:$0x6], $0x7000, $0x38;
	[tilespmem:$0x1C000] =	vst v63  }
0x25: {  	_ =	swait.ge [sflag:s21], $0xE00  }
0x26: {  	s29 =	sadd.s32 $0x4600, s26;
	[sflag:s21] =	ssyncset.done $0x0  }
0x27: {  	s22 =	sadd.s32 s25, s29;
	[sflag:s21] =	ssyncadd.s32 $0xFFFFF200  }
0x28: {  	[spmem:s8], [sflag:s10] =	dma.local [hbm:s22], $0xE00  }
0x29: {  	_ =	swait.ge [sflag:s6], $0x7000  }
0x2a: {  	[sflag:s6] =	ssyncset.done $0x0  }
0x2b: {  	s24 =	sadd.s32 s28, s23;
	s23 =	simm.s32 $0x4;
	[sflag:s6] =	ssyncadd.s32 $0xFFFF9000  }
0x2c: {  	[hbm4b:s24+s2] =	stream.linear.scatter [tilespmem:s2], [sflag:$0x2], $0x7000, $0x38;
	[tilespmem:$0x1C000] =	vst v63  }
0x2d: {  	_ =	swait.ge [sflag:s23], $0x7000  }
0x2e: {  	s31 =	sadd.s32 $0x5400, s26;
	[sflag:s23] =	ssyncset.done $0x0  }
0x2f: {  	s25 =	sadd.s32 s25, s31;
	[sflag:s23] =	ssyncadd.s32 $0xFFFF9000  }
0x30: {  	[tilespmem:s5], [sflag:$0x3] =	stream.linear.gather [hbm4b:s25+s2], $0x7000, $0x38;
	[tilespmem:$0x1C000] =	vst v63  }
0x31: {  	_ =	swait.ge [sflag:s14], $0xE00  }
0x32: {  	[sflag:s14] =	ssyncset.done $0x0  }
0x33: {  	s26 =	sadd.s32 s28, s29;
	[sflag:s14] =	ssyncadd.s32 $0xFFFFF200  }
0x34: {  	[hbm:s26], [sflag:s17] =	dma.local [spmem:s8], $0xE00  }
0x35: {  	_ =	swait.ge [sflag:s9], $0x7000  }
0x36: {  	s30 =	ssub.s32 $0x2, s30;
	[sflag:s9] =	ssyncset.done $0x0  }
0x37: {  	s28 =	sadd.s32 s28, s31;
	s29 =	simm.s32 $0x6;
	[sflag:s9] =	ssyncadd.s32 $0xFFFF9000  }
0x38: {  	[hbm4b:s28+s2] =	stream.linear.scatter [tilespmem:s5], [sflag:$0x4], $0x7000, $0x38;
	[tilespmem:$0x1C000] =	vst v63  }
0x39: {  	s31 =	sshrl.u32 s30, $0x1;
	_ =	swait.ge [sflag:s29], $0x7000  }
0x3a: {  	s30 =	ssub.s32 s30, s31;
	[sflag:s29] =	ssyncset.done $0x0  }
0x3b: {  	s30 =	smax.u32 s30, $0x1;
	[sflag:s29] =	ssyncadd.s32 $0xFFFF9000  }
0x3c: {  	p0 =	sne.s32 s30, $0x1;
	_ =	swait.ge [sflag:s16], $0x7000  }
.Ltmp0:
0x3d: {  	[sflag:s16] =	ssyncset.done $0x0;
	(pc) =	sbr.rel @!p0 .LBB2_2-.Ltmp0, $4  }
0x3e: {  	[sflag:s16] =	ssyncadd.s32 $0xFFFF9000  }
0x3f: {  	_ =	swait.ge [sflag:s21], $0xE00  }
0x40: {  	[sflag:s21] =	ssyncset.done $0x0  }
0x41: {  	s30 =	sadd.s32 $0xFFFFFFFF, s30;
	[sflag:s21] =	ssyncadd.s32 $0xFFFFF200  }
.LBB2_1:
0x42: {  	_ =	swait.ge [sflag:s23], $0x7000  }
0x43: {  	[sflag:s23] =	ssyncset.done $0x0  }
0x44: {  	s31 =	rddreg [dreg:$0x4];
	[sflag:s23] =	ssyncadd.s32 $0xFFFF9000  }
0x45: {  	[tilespmem:s2], [sflag:$0x1] =	stream.linear.gather [hbm4b:s31+s2], $0x7000, $0x38;
	[tilespmem:$0x1C000] =	vst v63  }
0x46: {  	_ = 	snop  }
0x47: {  	[tilespmem:s5], [sflag:$0x3] =	stream.linear.gather [hbm4b:s3+s2], $0x7000, $0x38;
	[tilespmem:$0x1C000] =	vst v63  }
0x48: {  	_ =	swait.ge [sflag:s6], $0x7000  }
0x49: {  	[sflag:s6] =	ssyncset.done $0x0  }
0x4a: {  	[sflag:s6] =	ssyncadd.s32 $0xFFFF9000  }
0x4b: {  	[hbm4b:s4+s2] =	stream.linear.scatter [tilespmem:s2], [sflag:$0x2], $0x7000, $0x38;
	[tilespmem:$0x1C000] =	vst v63  }
0x4c: {  	[spmem:s8], [sflag:s10] =	dma.local [hbm:s7], $0xE00  }
0x4d: {  	_ =	swait.ge [sflag:s9], $0x7000  }
0x4e: {  	[sflag:s9] =	ssyncset.done $0x0  }
0x4f: {  	[sflag:s9] =	ssyncadd.s32 $0xFFFF9000  }
0x50: {  	[hbm4b:s11+s2] =	stream.linear.scatter [tilespmem:s5], [sflag:$0x4], $0x7000, $0x38;
	[tilespmem:$0x1C000] =	vst v63  }
0x51: {  	_ = 	snop  }
0x52: {  	[tilespmem:s13], [sflag:$0x5] =	stream.linear.gather [hbm4b:s12+s2], $0x7000, $0x38;
	[tilespmem:$0x1C000] =	vst v63  }
0x53: {  	_ =	swait.ge [sflag:s14], $0xE00  }
0x54: {  	[sflag:s14] =	ssyncset.done $0x0  }
0x55: {  	[sflag:s14] =	ssyncadd.s32 $0xFFFFF200  }
0x56: {  	[hbm:s15], [sflag:s17] =	dma.local [spmem:s8], $0xE00  }
0x57: {  	_ =	swait.ge [sflag:s16], $0x7000  }
0x58: {  	[sflag:s16] =	ssyncset.done $0x0  }
0x59: {  	[sflag:s16] =	ssyncadd.s32 $0xFFFF9000  }
0x5a: {  	[tilespmem:s2], [sflag:$0x1] =	stream.linear.gather [hbm4b:s18+s2], $0x7000, $0x38;
	[tilespmem:$0x1C000] =	vst v63  }
0x5b: {  	_ =	swait.ge [sflag:s19], $0x7000  }
0x5c: {  	[sflag:s19] =	ssyncset.done $0x0  }
0x5d: {  	[sflag:s19] =	ssyncadd.s32 $0xFFFF9000  }
0x5e: {  	[hbm4b:s20+s2] =	stream.linear.scatter [tilespmem:s13], [sflag:$0x6], $0x7000, $0x38;
	[tilespmem:$0x1C000] =	vst v63  }
0x5f: {  	_ =	swait.ge [sflag:s21], $0xE00  }
0x60: {  	[sflag:s21] =	ssyncset.done $0x0  }
0x61: {  	[sflag:s21] =	ssyncadd.s32 $0xFFFFF200  }
0x62: {  	[spmem:s8], [sflag:s10] =	dma.local [hbm:s22], $0xE00  }
0x63: {  	_ =	swait.ge [sflag:s6], $0x7000  }
0x64: {  	[sflag:s6] =	ssyncset.done $0x0  }
0x65: {  	[sflag:s6] =	ssyncadd.s32 $0xFFFF9000  }
0x66: {  	[hbm4b:s24+s2] =	stream.linear.scatter [tilespmem:s2], [sflag:$0x2], $0x7000, $0x38;
	[tilespmem:$0x1C000] =	vst v63  }
0x67: {  	_ =	swait.ge [sflag:s23], $0x7000  }
0x68: {  	[sflag:s23] =	ssyncset.done $0x0  }
0x69: {  	[sflag:s23] =	ssyncadd.s32 $0xFFFF9000  }
0x6a: {  	[tilespmem:s5], [sflag:$0x3] =	stream.linear.gather [hbm4b:s25+s2], $0x7000, $0x38;
	[tilespmem:$0x1C000] =	vst v63  }
0x6b: {  	_ =	swait.ge [sflag:s14], $0xE00  }
0x6c: {  	[sflag:s14] =	ssyncset.done $0x0  }
0x6d: {  	[sflag:s14] =	ssyncadd.s32 $0xFFFFF200  }
0x6e: {  	[hbm:s26], [sflag:s17] =	dma.local [spmem:s8], $0xE00  }
0x6f: {  	_ =	swait.ge [sflag:s9], $0x7000  }
0x70: {  	[sflag:s9] =	ssyncset.done $0x0  }
0x71: {  	[sflag:s9] =	ssyncadd.s32 $0xFFFF9000  }
0x72: {  	[hbm4b:s28+s2] =	stream.linear.scatter [tilespmem:s5], [sflag:$0x4], $0x7000, $0x38;
	[tilespmem:$0x1C000] =	vst v63  }
0x73: {  	_ =	swait.ge [sflag:s29], $0x7000  }
0x74: {  	[sflag:s29] =	ssyncset.done $0x0  }
0x75: {  	[sflag:s29] =	ssyncadd.s32 $0xFFFF9000  }
0x76: {  	p0 =	sne.s32 s30, $0x1;
	_ =	swait.ge [sflag:s16], $0x7000  }
.Ltmp1:
0x77: {  	[sflag:s16] =	ssyncset.done $0x0;
	(pc) =	sbr.rel @p0 .LBB2_1-.Ltmp1, $4  }
0x78: {  	[sflag:s16] =	ssyncadd.s32 $0xFFFF9000  }
0x79: {  	_ =	swait.ge [sflag:s21], $0xE00  }
0x7a: {  	[sflag:s21] =	ssyncset.done $0x0  }
0x7b: {  	s30 =	sadd.s32 $0xFFFFFFFF, s30;
	[sflag:s21] =	ssyncadd.s32 $0xFFFFF200  }
.LBB2_2:
0x7c: {  	_ =	swait.ge [sflag:s23], $0x7000  }
0x7d: {  	[sflag:s23] =	ssyncset.done $0x0  }
0x7e: {  	[sflag:s23] =	ssyncadd.s32 $0xFFFF9000  }
0x7f: {  	_ =	sfence.sel $0x180000  }
0x80: {  	[bflag:$0x0] =	sbarrier.arrive $0xFFFF  }
0x81: {  	p0 =	sne.s32 s0, $0x0;
	_ =	strace $0x90000047  }
0x82: {  	s0 =	sadd.s32 @!p0 $0x100000, s1;
	[bflag:$0x2] =	sbarrier.arrive $0xFFFF  }
0x83: {  	[sflag:s0] =	ssyncadd.tile.s32 @!p0 $0x1;
	_ =	shalt  }
.Lfunc_end2:
_tile_overlayer_lowered:
.L_overlay_start_2:
0x84: {  	(tag) =	ssettag $0x2  }
0x85: {  	s0 =	rddreg [dreg:$0x0];
	s2 =	stileid.u32  }
0x86: {  	s1 =	rddreg [dreg:$0x1];
	p0 =	sne.s32 s2, $0x0  }
0x87: {  	s3 =	rddreg [dreg:$0x2];
	[bflag:$0x3] =	sbarrier.arrive $0xFFFF;
	s2 =	simm.s32 @!p0 $0x1C09  }
0x88: {  	[timem:s3], [sflag:s2] =	dma.local @!p0 [hbm:s0], s1  }
0x89: {  	s0 =	simm.s32 @!p0 $0x9  }
0x8a: {  	_ =	swait.ge @!p0 [sflag:s0], s1  }
0x8b: {  	s1 =	ssub.s32 @!p0 $0x0, s1;
	[sflag:s0] =	ssyncset.done @!p0 $0x0  }
0x8c: {  	[sflag:s0] =	ssyncadd.s32 @!p0 s1  }
0x8d: {  	[bflag:$0x3] =	sbarrier.arrive $0xFFFF  }
0x8e: {  	_ =	shalt  }

// kernel: sc_slice_copy_50000.3.cloned.1.call-start
scs
__scs_entry_jumppad:
0x0: {  	(pc) =	sbr.rel $0x88, $3  }
0x1: {  	(tag) =	ssettag $0x0;
	lr =	simm.s32 $0x1  }
0x2: {  	[smem:$0x3F9F] =	sst lr;
	_ =	strace $0xD0000000  }
0x3: {  	_ = 	snop  }
0x4: {  	_ = 	snop  }
0x5: {  	_ = 	snop  }
0x6: {  	_ = 	snop  }
0x7: {  	_ = 	snop  }
__scs_overlays_trampoline_lowered:
0x8: {  	[smem:$0x3FAE] =	sst s0  }
0x9: {  	[smem:$0x3FAF] =	sst s1  }
0xa: {  	[smem:$0x3FB0] =	sst s2  }
0xb: {  	[smem:$0x3FB1] =	sst s3  }
0xc: {  	[smem:$0x3FB2] =	sst s4  }
0xd: {  	[smem:$0x3FB3] =	sst s5  }
0xe: {  	[smem:$0x3FB4] =	sst s6  }
0xf: {  	[smem:$0x3FB5] =	sst s7  }
0x10: {  	[smem:$0x3FB6] =	sst s8  }
0x11: {  	[smem:$0x3FB7] =	sst s9;
	s0 =	simm.s32 @!p0 $0x0  }
0x12: {  	s1 =	sld [smem:$0x3F9D];
	s0 =	simm.s32 @p0 $0x1  }
0x13: {  	[smem:$0x3FB8] =	sst s0;
	s0 =	simm.s32 @!p1 $0x0  }
0x14: {  	s2 =	sld [smem:$0x3F9C];
	s0 =	simm.s32 @p1 $0x1  }
0x15: {  	[smem:$0x3FB9] =	sst s0;
	s0 =	simm.s32 @!p2 $0x0  }
0x16: {  	s3 =	sld [smem:$0x3FDB];
	s0 =	simm.s32 @p2 $0x1  }
0x17: {  	s4 =	simm.s32 $0x1BF5;
	[smem:$0x3FBB] =	sst s0  }
0x18: {  	s0 =	sld [smem:$0x3F9E];
	_ =	swait.ge [sflag:s4], $0x0  }
0x19: {  	s7 =	sld [smem:$0x3F9F]  }
0x1a: {  	s8 =	sadd.s32 $0xFFFFE003, lr  }
0x1b: {  	s9 =	sadd.s32 $0xFFFFFEF7, lr;
	s5 =	simm.s32 $0xFFFFFFFF;
	p2 =	slt.u32 s8, $0xFFFFF086  }
0x1c: {  	p1 =	slt.u32 s9, $0xF7A;
	s5 =	simm.s32 @!p2 $0x0  }
0x1d: {  	s5 =	simm.s32 @p1 $0x1;
	p0 =	seq.s32 s7, s2  }
0x1e: {  	s7 =	smul.u32 @!p0 $0xF7A, s2;
	p2 =	seq.s32 @!p0 s5, $0x0  }
0x1f: {  	s9 =	smul.u32 $0xF7A, s1;
	s8 =	simm.s32 @!p0 $0x1BF5;
	p2 =	por !p2, p0  }
0x20: {  	[sflag:s8] =	ssyncset.s32 @!p0 $0xFFFFF086;
	s6 =	sadd.s32 @!p0 s3, s7;
	s7 =	simm.s32 @!p0 $0x108  }
0x21: {  	s3 =	sadd.s32 s3, s9;
	s6 =	sadd.s32 @!p0 $0x88, s6;
	s7 =	simm.s32 @p2 $0x1082  }
0x22: {  	[simem:s7], [sflag:s8] =	dma.local @!p0 [hbm:s6], $0xF7A  }
0x23: {  	s9 =	sor.u32 $0xD0000000, s2;
	s6 =	simm.s32 $0x108;
	_ =	swait.ge @!p0 [sflag:s8], $0x0  }
0x24: {  	s3 =	sadd.s32 $0x88, s3;
	s6 =	simm.s32 @!p1 $0x1082;
	[sflag:s4] =	ssyncset.s32 $0xFFFFF086  }
0x25: {  	[simem:s6], [sflag:s4] =	dma.local [hbm:s3], $0xF7A  }
0x26: {  	[smem:$0x3F9F] =	sst s1;
	(tag) =	ssettag s2;
	_ =	strace s9  }
0x27: {  	s1 =	sld [smem:$0x3FAF]  }
0x28: {  	s2 =	sld [smem:$0x3FB0]  }
0x29: {  	s4 =	sld [smem:$0x3FB2]  }
0x2a: {  	p0 =	seq.s32 s5, $0x0;
	s5 =	sld [smem:$0x3FB3]  }
0x2b: {  	s6 =	sld [smem:$0x3FB4]  }
0x2c: {  	s7 =	sld [smem:$0x3FB5]  }
0x2d: {  	s3 =	simm.s32 $0x108;
	s8 =	sld [smem:$0x3FB6]  }
0x2e: {  	s3 =	simm.s32 @!p0 $0x1082;
	s9 =	sld [smem:$0x3FB7]  }
0x2f: {  	lr =	sadd.s32 s0, s3;
	s0 =	sld [smem:$0x3FAE]  }
0x30: {  	s3 =	sld [smem:$0x3FB1]  }
0x31: {  	[smem:$0x3FBA] =	sst s10  }
0x32: {  	s10 =	sld [smem:$0x3FB8];
	_ =	sdelay $0x3  }
0x33: {  	p0 =	seq.s32 s10, $0x1;
	s10 =	sld [smem:$0x3FBA];
	_ =	sdelay $0x3  }
0x34: {  	[smem:$0x3FBA] =	sst s10  }
0x35: {  	s10 =	sld [smem:$0x3FB9];
	_ =	sdelay $0x3  }
0x36: {  	p1 =	seq.s32 s10, $0x1;
	s10 =	sld [smem:$0x3FBA];
	_ =	sdelay $0x3  }
0x37: {  	[smem:$0x3FBA] =	sst s10  }
0x38: {  	s10 =	sld [smem:$0x3FBB]  }
0x39: {  	_ = 	snop;
	(pc) =	sbr.ind lr, $3  }
0x3a: {  	_ = 	snop  }
0x3b: {  	_ = 	snop  }
0x3c: {  	p2 =	seq.s32 s10, $0x1;
	s10 =	sld [smem:$0x3FBA]  }
0x3d: {  	_ =	shalt  }
0x3e: {  	_ =	shalt  }
0x3f: {  	_ =	shalt  }
0x40: {  	_ =	shalt  }
0x41: {  	_ =	shalt  }
0x42: {  	_ =	shalt  }
0x43: {  	_ =	shalt  }
0x44: {  	_ =	shalt  }
0x45: {  	_ =	shalt  }
0x46: {  	_ =	shalt  }
0x47: {  	_ =	shalt  }
0x48: {  	_ =	shalt  }
0x49: {  	_ =	shalt  }
0x4a: {  	_ =	shalt  }
0x4b: {  	_ =	shalt  }
0x4c: {  	_ =	shalt  }
0x4d: {  	_ =	shalt  }
0x4e: {  	_ =	shalt  }
0x4f: {  	_ =	shalt  }
0x50: {  	_ =	shalt  }
0x51: {  	_ =	shalt  }
0x52: {  	_ =	shalt  }
0x53: {  	_ =	shalt  }
0x54: {  	_ =	shalt  }
0x55: {  	_ =	shalt  }
0x56: {  	_ =	shalt  }
0x57: {  	_ =	shalt  }
0x58: {  	_ =	shalt  }
0x59: {  	_ =	shalt  }
0x5a: {  	_ =	shalt  }
0x5b: {  	_ =	shalt  }
0x5c: {  	_ =	shalt  }
0x5d: {  	_ =	shalt  }
0x5e: {  	_ =	shalt  }
0x5f: {  	_ =	shalt  }
0x60: {  	_ =	shalt  }
0x61: {  	_ =	shalt  }
0x62: {  	_ =	shalt  }
0x63: {  	_ =	shalt  }
0x64: {  	_ =	shalt  }
0x65: {  	_ =	shalt  }
0x66: {  	_ =	shalt  }
0x67: {  	_ =	shalt  }
0x68: {  	_ =	shalt  }
0x69: {  	_ =	shalt  }
0x6a: {  	_ =	shalt  }
0x6b: {  	_ =	shalt  }
0x6c: {  	_ =	shalt  }
0x6d: {  	_ =	shalt  }
0x6e: {  	_ =	shalt  }
0x6f: {  	_ =	shalt  }
0x70: {  	_ =	shalt  }
0x71: {  	_ =	shalt  }
0x72: {  	_ =	shalt  }
0x73: {  	_ =	shalt  }
0x74: {  	_ =	shalt  }
0x75: {  	_ =	shalt  }
0x76: {  	_ =	shalt  }
0x77: {  	_ =	shalt  }
0x78: {  	_ =	shalt  }
0x79: {  	_ =	shalt  }
0x7a: {  	_ =	shalt  }
0x7b: {  	_ =	shalt  }
0x7c: {  	_ =	shalt  }
0x7d: {  	_ =	shalt  }
0x7e: {  	_ =	shalt  }
0x7f: {  	_ =	shalt  }
0x80: {  	_ =	shalt  }
0x81: {  	_ =	shalt  }
0x82: {  	_ =	shalt  }
0x83: {  	_ =	shalt  }
0x84: {  	_ =	shalt  }
0x85: {  	_ =	shalt  }
0x86: {  	_ =	shalt  }
0x87: {  	_ =	shalt  }
.Lfunc_end0:
.L_simem_size_0:
called_computation.1_lowered:
.L_overlay_start_0:
0x88: {  	s2 =	sld [smem:$0x3FD9]  }
0x89: {  	s3 =	sld [smem:$0x3FFE];
	_ =	sdelay $0x1  }
0x8a: {  	s1 =	srdreg.scid  }
0x8b: {  	s0 =	sand.u32 $0x1, s1  }
0x8c: {  	s18 =	sshll.u32 s0, $0xA;
	s2 =	sadd.s32 s3, s2  }
0x8d: {  	s2 =	sadd.s32 s2, s18  }
0x8e: {  	[smem:$0x3FC6] =	sst s2  }
0x8f: {  	_ = 	snop  }
0x90: {  	s2 =	sld [smem:$0x3FC8]  }
0x91: {  	s19 =	sld [smem:$0x3FD0];
	(tm) =	ssettm $0x1  }
0x92: {  	s4 =	sld [smem:$0x3FFB];
	_ =	sdelay $0x3  }
0x93: {  	_ =	strace s4  }
0x94: {  	s4 =	sld [smem:$0x3FFC];
	_ =	sdelay $0x3  }
0x95: {  	_ =	strace s4  }
0x96: {  	s4 =	sld [smem:$0x3FFD];
	_ =	sdelay $0x3  }
0x97: {  	_ =	strace s4  }
0x98: {  	_ =	strace $0x8FFFFFFF  }
0x99: {  	s20 =	sld [smem:$0x3FDB];
	_ =	sdelay $0x1  }
0x9a: {  	s5 =	simm.s32 $_scs_section_size  }
0x9b: {  	s6 =	simm.s32 $_size__tile_overlayer_lowered;
	s7 =	simm.s32 $_tile_overlayer_lowered  }
0x9c: {  	s23 =	simm.s32 $0x1BFF;
	s22 =	sshll.u32 s7, $0x1;
	s4 =	sadd.s32 s5, s20  }
0x9d: {  	s8 =	simm.s32 $0x0;
	s21 =	sshll.u32 s6, $0x1;
	s6 =	sadd.s32 s22, s4  }
0x9e: {  	[timem:s8], [sflag:s23] =	dma.local [hbm:s6], s21  }
0x9f: {  	_ =	swait.ge [sflag:s23], s21  }
0xa0: {  	s5 =	ssub.s32 $0x0, s21;
	[sflag:s23] =	ssyncset.done $0x0  }
0xa1: {  	[sflag:s23] =	ssyncadd.s32 s5;
	_ =	sdelay $0x1  }
0xa2: {  	s24 =	simm.s32 $0x1B8B  }
0xa3: {  	_ =	swait.ge [sflag:s24], $0x1  }
0xa4: {  	[sflag:s24] =	ssyncset.done $0x0  }
0xa5: {  	s25 =	simm.s32 $0x1B8E;
	[sflag:s24] =	ssyncadd.s32 $0xFFFFFFFF  }
0xa6: {  	s26 =	simm.s32 $execute0_lowered;
	[smem:$0x3FD2] =	sst s25  }
0xa7: {  	s5 =	sshll.u32 s26, $0x1;
	_ =	strace $0x80000049;
	[dreg:$0x1] =	wrdreg $0xFFFFFFFF  }
0xa8: {  	s28 =	simm.s32 $_size_execute0_lowered;
	s4 =	sadd.s32 s4, s5;
	[dreg:$0x0] =	wrdreg $0x0  }
0xa9: {  	s5 =	sshll.u32 s28, $0x1;
	[dreg:$0x2] =	wrdreg s4  }
0xaa: {  	[dreg:$0x3] =	wrdreg s5  }
0xab: {  	[dreg:$0x4] =	wrdreg $0xC0  }
0xac: {  	_ =	task [dreg:s8], $0x5FFFF  }
0xad: {  	[dreg:$0x1] =	wrdreg $0xFFFFFFFF  }
0xae: {  	[dreg:$0x0] =	wrdreg $0x60  }
0xaf: {  	[dreg:$0x2] =	wrdreg s2  }
0xb0: {  	[dreg:$0x3] =	wrdreg s19  }
0xb1: {  	[dreg:$0x4] =	wrdreg $0x150000  }
0xb2: {  	[dreg:$0x5] =	wrdreg $0x9  }
0xb3: {  	_ =	task.clear_ibuf [dreg:s8], $0x6FFFF;
	_ =	strace $0x90000049  }
0xb4: {  	s29 =	simm.s32 $0x9;
	_ =	strace $0x8000004B  }
0xb5: {  	_ =	swait.ge [sflag:s29], $0x1  }
0xb6: {  	[sflag:s29] =	ssyncadd.s32 $0xFFFFFFFF  }
0xb7: {  	_ =	strace $0x9000004B  }
0xb8: {  	_ =	sfence  }
0xb9: {  	s30 =	sld [smem:$0x0];
	_ =	sdelay $0x2  }
0xba: {  	s31 =	sshll.u32 s1, $0xD;
	s1 =	sshrl.u32 s1, $0x2  }
0xbb: {  	s3 =	sand.u32 $0x4000, s31;
	s1 =	sadd.s32 s1, s30  }
0xbc: {  	s0 =	sor.u32 s3, s0;
	s1 =	sshll.u32 s1, $0x11  }
0xbd: {  	s0 =	sor.u32 s1, s0  }
0xbe: {  	s0 =	sadd.s32 $0x8F2B, s0  }
0xbf: {  	[sflag:s0] =	ssyncadd.remote.s32 $0x1  }
0xc0: {  	_ =	sfence.sel $0xFFFF  }
0xc1: {  	[dreg:$0x0] =	wrdreg $0xFFFFFFFF;
	(pc) =	sbr.abs _section_cstart, $3  }
0xc2: {  	[dreg:$0x1] =	wrdreg $0xFFFFFFFF  }
0xc3: {  	_ =	task.clear_ibuf [dreg:s8], $0x2FFFF;
	_ =	strace $0x9FFFFFFF  }
0xc4: {  	(tm) =	ssettm $0x7FFFFFFF  }
0xc5: {  	_ =	shalt  }
tec
execute0_lowered:
.L_overlay_start_1:
0x0: {  	(tag) =	ssettag $0x1  }
0x1: {  	s1 =	srdreg.scid;
	s0 =	stileid.u32  }
0x2: {  	s31 =	sand.u32 $0x1, s1;
	s24 =	sshll.u32 s0, $0x1  }
0x3: {  	s1 =	sor.u32 s31, s24  }
0x4: {  	s3 =	rddreg [dreg:$0x0];
	s1 =	smul.u32 $0x620, s1  }
0x5: {  	s5 =	rddreg [dreg:$0x1]  }
0x6: {  	s8 =	rddreg [dreg:$0x2];
	s4 =	smin.u32 s1, $0xBD30  }
0x7: {  	s2 =	simm.s32 $0x0;
	s7 =	simm.s32 $0x1;
	s6 =	sshll.u32 s4, $0x4  }
0x8: {  	s11 =	simm.s32 $0x3;
	[smem:$0x7FF] =	sst s2;
	s26 =	sadd.s32 s6, s3  }
0x9: {  	s25 =	smul.u32 $0x1C000, s0;
	_ =	strace $0x8000004A;
	s3 =	sadd.s32 $0xC3500, s26  }
0xa: {  	[tilespmem:s2], [sflag:$0x1] =	stream.linear.gather [hbm4b:s3+s2], $0x7000, $0x38;
	[tilespmem:$0x1C000] =	vst v63  }
0xb: {  	s5 =	sadd.s32 s5, s6;
	s6 =	simm.s32 $0x7000;
	s4 =	sadd.s32 $0xC4300, s26  }
0xc: {  	[tilespmem:s6], [sflag:$0x3] =	stream.linear.gather [hbm4b:s4+s2], $0x7000, $0x38;
	[tilespmem:$0x1C000] =	vst v63  }
0xd: {  	s17 =	sshll.u32 s0, $0x6;
	s9 =	sshrl.u32 s25, $0x2;
	_ =	swait.ge [sflag:s7], $0x7000  }
0xe: {  	s10 =	sadd.s32 s9, s8;
	s9 =	sor.u32 $0x1C07, s17;
	[sflag:s7] =	ssyncset.done $0x0  }
0xf: {  	s10 =	sshrl.u32 s10, $0x3;
	s8 =	sadd.s32 $0xC5100, s26;
	[sflag:s7] =	ssyncadd.s32 $0xFFFF9000  }
0x10: {  	[hbm4b:s5+s2] =	stream.linear.scatter [tilespmem:s2], [sflag:$0x2], $0x7000, $0x38;
	[tilespmem:$0x1C000] =	vst v63  }
0x11: {  	[spmem:s10], [sflag:s9] =	dma.local [hbm:s8], $0xE00  }
0x12: {  	_ =	swait.ge [sflag:s11], $0x7000  }
0x13: {  	[sflag:s11] =	ssyncset.done $0x0  }
0x14: {  	s12 =	sadd.s32 $0xE00, s5;
	[sflag:s11] =	ssyncadd.s32 $0xFFFF9000  }
0x15: {  	[hbm4b:s12+s2] =	stream.linear.scatter [tilespmem:s6], [sflag:$0x4], $0x7000, $0x38;
	[tilespmem:$0x1C000] =	vst v63  }
0x16: {  	s14 =	simm.s32 $0xE000;
	s15 =	simm.s32 $0x7;
	s13 =	sadd.s32 $0xC5F00, s26  }
0x17: {  	[tilespmem:s14], [sflag:$0x5] =	stream.linear.gather [hbm4b:s13+s2], $0x7000, $0x38;
	[tilespmem:$0x1C000] =	vst v63  }
0x18: {  	_ =	swait.ge [sflag:s15], $0xE00  }
0x19: {  	s18 =	simm.s32 $0x2;
	[sflag:s15] =	ssyncset.done $0x0  }
0x1a: {  	s17 =	sor.u32 $0x1C08, s17;
	s16 =	sadd.s32 $0x1C00, s5;
	[sflag:s15] =	ssyncadd.s32 $0xFFFFF200  }
0x1b: {  	[hbm:s16], [sflag:s17] =	dma.local [spmem:s10], $0xE00  }
0x1c: {  	_ =	swait.ge [sflag:s18], $0x7000  }
0x1d: {  	[sflag:s18] =	ssyncset.done $0x0  }
0x1e: {  	s20 =	simm.s32 $0x5;
	s19 =	sadd.s32 $0xC6D00, s26;
	[sflag:s18] =	ssyncadd.s32 $0xFFFF9000  }
0x1f: {  	[tilespmem:s2], [sflag:$0x1] =	stream.linear.gather [hbm4b:s19+s2], $0x7000, $0x38;
	[tilespmem:$0x1C000] =	vst v63  }
0x20: {  	_ =	swait.ge [sflag:s20], $0x7000  }
0x21: {  	[sflag:s20] =	ssyncset.done $0x0  }
0x22: {  	s22 =	simm.s32 $0x8;
	s21 =	sadd.s32 $0x2A00, s5;
	[sflag:s20] =	ssyncadd.s32 $0xFFFF9000  }
0x23: {  	[hbm4b:s21+s2] =	stream.linear.scatter [tilespmem:s14], [sflag:$0x6], $0x7000, $0x38;
	[tilespmem:$0x1C000] =	vst v63  }
0x24: {  	_ =	swait.ge [sflag:s22], $0xE00  }
0x25: {  	[sflag:s22] =	ssyncset.done $0x0  }
0x26: {  	s23 =	sadd.s32 $0xC7B00, s26;
	[sflag:s22] =	ssyncadd.s32 $0xFFFFF200  }
0x27: {  	[spmem:s10], [sflag:s9] =	dma.local [hbm:s23], $0xE00  }
0x28: {  	_ =	swait.ge [sflag:s7], $0x7000  }
0x29: {  	[sflag:s7] =	ssyncset.done $0x0  }
0x2a: {  	s25 =	simm.s32 $0x4;
	s24 =	sadd.s32 $0x3800, s5;
	[sflag:s7] =	ssyncadd.s32 $0xFFFF9000  }
0x2b: {  	[hbm4b:s24+s2] =	stream.linear.scatter [tilespmem:s2], [sflag:$0x2], $0x7000, $0x38;
	[tilespmem:$0x1C000] =	vst v63  }
0x2c: {  	_ =	swait.ge [sflag:s25], $0x7000  }
0x2d: {  	[sflag:s25] =	ssyncset.done $0x0  }
0x2e: {  	s26 =	sadd.s32 $0xC8900, s26;
	[sflag:s25] =	ssyncadd.s32 $0xFFFF9000  }
0x2f: {  	[tilespmem:s6], [sflag:$0x3] =	stream.linear.gather [hbm4b:s26+s2], $0x7000, $0x38;
	[tilespmem:$0x1C000] =	vst v63  }
0x30: {  	_ =	swait.ge [sflag:s15], $0xE00  }
0x31: {  	[sflag:s15] =	ssyncset.done $0x0  }
0x32: {  	s28 =	sadd.s32 $0x4600, s5;
	[sflag:s15] =	ssyncadd.s32 $0xFFFFF200  }
0x33: {  	[hbm:s28], [sflag:s17] =	dma.local [spmem:s10], $0xE00  }
0x34: {  	_ =	swait.ge [sflag:s11], $0x7000  }
0x35: {  	[sflag:s11] =	ssyncset.done $0x0  }
0x36: {  	s30 =	simm.s32 $0x6;
	s29 =	sadd.s32 $0x5400, s5;
	[sflag:s11] =	ssyncadd.s32 $0xFFFF9000  }
0x37: {  	[hbm4b:s29+s2] =	stream.linear.scatter [tilespmem:s6], [sflag:$0x4], $0x7000, $0x38;
	[tilespmem:$0x1C000] =	vst v63  }
0x38: {  	_ =	swait.ge [sflag:s30], $0x7000  }
0x39: {  	s31 =	ssub.s32 $0x2, s31;
	[sflag:s30] =	ssyncset.done $0x0  }
0x3a: {  	s1 =	sshrl.u32 s31, $0x1;
	[sflag:s30] =	ssyncadd.s32 $0xFFFF9000  }
0x3b: {  	s1 =	ssub.s32 s31, s1;
	_ =	swait.ge [sflag:s18], $0x7000  }
0x3c: {  	s1 =	smax.u32 s1, $0x1;
	[sflag:s18] =	ssyncset.done $0x0  }
0x3d: {  	p0 =	sne.s32 s1, $0x1;
	[sflag:s18] =	ssyncadd.s32 $0xFFFF9000  }
.Ltmp0:
0x3e: {  	_ =	swait.ge [sflag:s22], $0xE00;
	(pc) =	sbr.rel @!p0 .LBB2_2-.Ltmp0, $4  }
0x3f: {  	[sflag:s22] =	ssyncset.done $0x0  }
0x40: {  	[sflag:s22] =	ssyncadd.s32 $0xFFFFF200  }
0x41: {  	_ =	swait.ge [sflag:s25], $0x7000  }
0x42: {  	s31 =	sadd.s32 $0xFFFFFFFF, s1;
	[sflag:s25] =	ssyncset.done $0x0  }
.LBB2_1:
0x43: {  	p0 =	sne.s32 s31, $0x1;
	s31 =	sadd.s32 $0xFFFFFFFF, s31;
	[sflag:s25] =	ssyncadd.s32 $0xFFFF9000  }
0x44: {  	[tilespmem:s2], [sflag:$0x1] =	stream.linear.gather [hbm4b:s3+s2], $0x7000, $0x38;
	[tilespmem:$0x1C000] =	vst v63  }
0x45: {  	_ = 	snop  }
0x46: {  	[tilespmem:s6], [sflag:$0x3] =	stream.linear.gather [hbm4b:s4+s2], $0x7000, $0x38;
	[tilespmem:$0x1C000] =	vst v63  }
0x47: {  	_ =	swait.ge [sflag:s7], $0x7000  }
0x48: {  	[sflag:s7] =	ssyncset.done $0x0  }
0x49: {  	[sflag:s7] =	ssyncadd.s32 $0xFFFF9000  }
0x4a: {  	[hbm4b:s5+s2] =	stream.linear.scatter [tilespmem:s2], [sflag:$0x2], $0x7000, $0x38;
	[tilespmem:$0x1C000] =	vst v63  }
0x4b: {  	[spmem:s10], [sflag:s9] =	dma.local [hbm:s8], $0xE00  }
0x4c: {  	_ =	swait.ge [sflag:s11], $0x7000  }
0x4d: {  	[sflag:s11] =	ssyncset.done $0x0  }
0x4e: {  	[sflag:s11] =	ssyncadd.s32 $0xFFFF9000  }
0x4f: {  	[hbm4b:s12+s2] =	stream.linear.scatter [tilespmem:s6], [sflag:$0x4], $0x7000, $0x38;
	[tilespmem:$0x1C000] =	vst v63  }
0x50: {  	_ = 	snop  }
0x51: {  	[tilespmem:s14], [sflag:$0x5] =	stream.linear.gather [hbm4b:s13+s2], $0x7000, $0x38;
	[tilespmem:$0x1C000] =	vst v63  }
0x52: {  	_ =	swait.ge [sflag:s15], $0xE00  }
0x53: {  	[sflag:s15] =	ssyncset.done $0x0  }
0x54: {  	[sflag:s15] =	ssyncadd.s32 $0xFFFFF200  }
0x55: {  	[hbm:s16], [sflag:s17] =	dma.local [spmem:s10], $0xE00  }
0x56: {  	_ =	swait.ge [sflag:s18], $0x7000  }
0x57: {  	[sflag:s18] =	ssyncset.done $0x0  }
0x58: {  	[sflag:s18] =	ssyncadd.s32 $0xFFFF9000  }
0x59: {  	[tilespmem:s2], [sflag:$0x1] =	stream.linear.gather [hbm4b:s19+s2], $0x7000, $0x38;
	[tilespmem:$0x1C000] =	vst v63  }
0x5a: {  	_ =	swait.ge [sflag:s20], $0x7000  }
0x5b: {  	[sflag:s20] =	ssyncset.done $0x0  }
0x5c: {  	[sflag:s20] =	ssyncadd.s32 $0xFFFF9000  }
0x5d: {  	[hbm4b:s21+s2] =	stream.linear.scatter [tilespmem:s14], [sflag:$0x6], $0x7000, $0x38;
	[tilespmem:$0x1C000] =	vst v63  }
0x5e: {  	_ =	swait.ge [sflag:s22], $0xE00  }
0x5f: {  	[sflag:s22] =	ssyncset.done $0x0  }
0x60: {  	[sflag:s22] =	ssyncadd.s32 $0xFFFFF200  }
0x61: {  	[spmem:s10], [sflag:s9] =	dma.local [hbm:s23], $0xE00  }
0x62: {  	_ =	swait.ge [sflag:s7], $0x7000  }
0x63: {  	[sflag:s7] =	ssyncset.done $0x0  }
0x64: {  	[sflag:s7] =	ssyncadd.s32 $0xFFFF9000  }
0x65: {  	[hbm4b:s24+s2] =	stream.linear.scatter [tilespmem:s2], [sflag:$0x2], $0x7000, $0x38;
	[tilespmem:$0x1C000] =	vst v63  }
0x66: {  	_ =	swait.ge [sflag:s25], $0x7000  }
0x67: {  	[sflag:s25] =	ssyncset.done $0x0  }
0x68: {  	[sflag:s25] =	ssyncadd.s32 $0xFFFF9000  }
0x69: {  	[tilespmem:s6], [sflag:$0x3] =	stream.linear.gather [hbm4b:s26+s2], $0x7000, $0x38;
	[tilespmem:$0x1C000] =	vst v63  }
0x6a: {  	_ =	swait.ge [sflag:s15], $0xE00  }
0x6b: {  	[sflag:s15] =	ssyncset.done $0x0  }
0x6c: {  	[sflag:s15] =	ssyncadd.s32 $0xFFFFF200  }
0x6d: {  	[hbm:s28], [sflag:s17] =	dma.local [spmem:s10], $0xE00  }
0x6e: {  	_ =	swait.ge [sflag:s11], $0x7000  }
0x6f: {  	[sflag:s11] =	ssyncset.done $0x0  }
0x70: {  	[sflag:s11] =	ssyncadd.s32 $0xFFFF9000  }
0x71: {  	[hbm4b:s29+s2] =	stream.linear.scatter [tilespmem:s6], [sflag:$0x4], $0x7000, $0x38;
	[tilespmem:$0x1C000] =	vst v63  }
0x72: {  	_ =	swait.ge [sflag:s30], $0x7000  }
0x73: {  	[sflag:s30] =	ssyncset.done $0x0  }
0x74: {  	[sflag:s30] =	ssyncadd.s32 $0xFFFF9000  }
0x75: {  	_ =	swait.ge [sflag:s18], $0x7000  }
0x76: {  	[sflag:s18] =	ssyncset.done $0x0  }
0x77: {  	[sflag:s18] =	ssyncadd.s32 $0xFFFF9000  }
.Ltmp1:
0x78: {  	_ =	swait.ge [sflag:s22], $0xE00;
	(pc) =	sbr.rel @p0 .LBB2_1-.Ltmp1, $4  }
0x79: {  	[sflag:s22] =	ssyncset.done $0x0  }
0x7a: {  	[sflag:s22] =	ssyncadd.s32 $0xFFFFF200  }
0x7b: {  	_ =	swait.ge [sflag:s25], $0x7000  }
0x7c: {  	[sflag:s25] =	ssyncset.done $0x0  }
.LBB2_2:
0x7d: {  	[sflag:s25] =	ssyncadd.s32 $0xFFFF9000  }
0x7e: {  	_ =	sfence.sel $0x180000  }
0x7f: {  	[bflag:$0x0] =	sbarrier.arrive $0xFFFF  }
0x80: {  	_ =	strace $0x9000004A  }
0x81: {  	[bflag:$0x2] =	sbarrier.arrive $0xFFFF  }
0x82: {  	p0 =	sne.s32 s0, $0x0;
	s0 =	rddreg [dreg:$0x3]  }
0x83: {  	s0 =	sadd.s32 @!p0 $0x100000, s0  }
0x84: {  	[sflag:s0] =	ssyncadd.tile.s32 @!p0 $0x1;
	_ =	shalt  }
.Lfunc_end2:
_tile_overlayer_lowered:
.L_overlay_start_2:
0x85: {  	(tag) =	ssettag $0x2  }
0x86: {  	s0 =	rddreg [dreg:$0x0];
	s2 =	stileid.u32  }
0x87: {  	s1 =	rddreg [dreg:$0x1];
	p0 =	sne.s32 s2, $0x0  }
0x88: {  	s3 =	rddreg [dreg:$0x2];
	[bflag:$0x3] =	sbarrier.arrive $0xFFFF;
	s2 =	simm.s32 @!p0 $0x1C09  }
0x89: {  	[timem:s3], [sflag:s2] =	dma.local @!p0 [hbm:s0], s1  }
0x8a: {  	s0 =	simm.s32 @!p0 $0x9  }
0x8b: {  	_ =	swait.ge @!p0 [sflag:s0], s1  }
0x8c: {  	s1 =	ssub.s32 @!p0 $0x0, s1;
	[sflag:s0] =	ssyncset.done @!p0 $0x0  }
0x8d: {  	[sflag:s0] =	ssyncadd.s32 @!p0 s1  }
0x8e: {  	[bflag:$0x3] =	sbarrier.arrive $0xFFFF  }
0x8f: {  	_ =	shalt  }

</sc_bundles>
